<compile_context>
chip_gen: v7x
topology: tpu7x:2x2x1
jax: 0.10.2.dev20260603
libtpu: 0.0.44.dev20260713+nightly
codegen_flags: <defaults>
</compile_context>

<pallas_src>
import functools

import jax
import jax.numpy as jnp
from jax import lax
from jax.experimental import pallas as pl
from jax.experimental.pallas import tpu as pltpu
from jax.experimental.pallas import tpu_sc as plsc

MUL_A = 36313
MUL_B = 27191


def _make_sc_gather(total, seq, vocab, dim):
    info = plsc.get_sparse_core_info()
    nc, ns, L = info.num_cores, info.num_subcores, info.num_lanes
    nw = nc * ns
    assert total % nw == 0
    b_per_w = total // nw
    mod = vocab - 1
    chunk = 128
    mesh = plsc.VectorSubcoreMesh(core_axis_name="c", subcore_axis_name="s")

    @functools.partial(
        pl.kernel,
        mesh=mesh,
        compiler_params=pltpu.CompilerParams(use_tc_tiling_on_sc=False),
        out_type=jax.ShapeDtypeStruct((total, dim), jnp.float32),
        scratch_types=[
            pltpu.VMEM((b_per_w,), jnp.int32),
            pltpu.VMEM((b_per_w,), jnp.int32),
            pltpu.VMEM((b_per_w,), jnp.int32),
            pltpu.VMEM((b_per_w, dim), jnp.float32),
            pltpu.SemaphoreType.DMA,
        ],
    )
    def sc_gather(curr_hbm, prev_hbm, table_hbm, out_hbm,
                  curr_v, prev_v, idx_v, rows_v, sem):
        wid = lax.axis_index("s") * nc + lax.axis_index("c")
        base = wid * b_per_w
        pltpu.sync_copy(curr_hbm.at[pl.ds(base, b_per_w)], curr_v)
        pltpu.sync_copy(prev_hbm.at[pl.ds(base, b_per_w)], prev_v)

        def hash_step(j, carry):
            sl = pl.ds(j * L, L)
            t1 = curr_v[sl]
            t0 = prev_v[sl]
            x = lax.bitwise_xor(jnp.int32(MUL_A) * t1, jnp.int32(MUL_B) * t0)
            r = lax.rem(x, jnp.int32(mod))
            r = jnp.where(r < 0, r + jnp.int32(mod), r)
            pos = base + j * L + lax.iota(jnp.int32, L)
            r = jnp.where((pos & (seq - 1)) == 0, jnp.int32(mod), r)
            idx_v[sl] = r
            return carry

        lax.fori_loop(0, b_per_w // L, hash_step, 0)

        copies = []
        for c in range(b_per_w // chunk):
            cp = pltpu.make_async_copy(
                table_hbm.at[idx_v.at[pl.ds(c * chunk, chunk)]],
                rows_v.at[pl.ds(c * chunk, chunk)],
                sem,
            )
            cp.start()
            copies.append(cp)
        for cp in copies:
            cp.wait()
        pltpu.sync_copy(rows_v, out_hbm.at[pl.ds(base, b_per_w)])

    return sc_gather


def _mm_body(h_ref, w_ref, s_ref, o_ref):
    acc = lax.dot_general(h_ref[...], w_ref[...], (((1,), (1,)), ((), ())),
                          preferred_element_type=jnp.float32)
    o_ref[...] = acc * s_ref[0, 0]


def _project(gathered, proj_w, scale, blk):
    total, dim = gathered.shape
    model_dim = proj_w.shape[0]
    return pl.pallas_call(
        _mm_body,
        grid=(total // blk,),
        in_specs=[
            pl.BlockSpec((blk, dim), lambda i: (i, 0)),
            pl.BlockSpec((model_dim, dim), lambda i: (0, 0)),
            pl.BlockSpec(memory_space=pltpu.SMEM),
        ],
        out_specs=pl.BlockSpec((blk, model_dim), lambda i: (i, 0)),
        out_shape=jax.ShapeDtypeStruct((total, model_dim), jnp.float32),
    )(gathered, proj_w, scale)


def kernel(tokens, embed_w, proj_w, scale):
    batch, seq = tokens.shape
    vocab, dim = embed_w.shape
    model_dim = proj_w.shape[0]
    t = tokens.astype(jnp.int32).reshape(-1)
    prev = jnp.roll(t, 1)
    gathered = _make_sc_gather(batch * seq, seq, vocab, dim)(t, prev, embed_w)
    scale2d = jnp.asarray(scale, jnp.float32).reshape(1, 1)
    out = _project(gathered, proj_w, scale2d, blk=1024)
    return out.reshape(batch, seq, model_dim)

# --- scband reference (transcript-rebuilt; emitter-appended) ---
"""Pipeline reference for scband-bigram-hash-25589415149600 (READ-ONLY COPY).

The authoritative reference and input builder live on the scoring server;
editing this copy changes nothing except your own understanding.
"""

import jax, jax.numpy as jnp
import numpy as np

VOCAB = 1000000
BIGRAM_DIM = 64
MODEL_DIM = 1024
BATCH = 4
SEQ = 8192


def setup_inputs(seed: int = 0) -> dict:
    key = jax.random.key(seed)
    k1, k2, k3 = jax.random.split(key, 3)
    tokens = jax.random.randint(k1, (BATCH, SEQ), 0, VOCAB, dtype=jnp.int32)
    # learned parameters (zeros-init in the original module; use small random values
    # so the reference computation is non-degenerate)
    embed_w = jax.random.normal(k2, (VOCAB, BIGRAM_DIM), dtype=jnp.float32) * 0.02
    proj_w = jax.random.normal(k3, (MODEL_DIM, BIGRAM_DIM), dtype=jnp.float32) * 0.02
    scale = jnp.asarray(0.05, dtype=jnp.float32)
    return {"tokens": tokens, "embed_w": embed_w, "proj_w": proj_w, "scale": scale}


def reference(tokens, embed_w, proj_w, scale):
    # BigramHash.forward
    t = tokens.astype(jnp.int32)
    mod = VOCAB - 1
    # int32 wrap-around multiplication matches torch int32 semantics;
    # jnp.mod yields non-negative result for positive divisor, matching torch %
    a = jnp.int32(36313) * t[..., 1:]
    b = jnp.int32(27191) * t[..., :-1]
    hashed = jnp.mod(jnp.bitwise_xor(a, b), jnp.int32(mod))
    first = jnp.full(t.shape[:-1] + (1,), mod, dtype=jnp.int32)
    out_idx = jnp.concatenate([first, hashed], axis=-1)
    # embedding gather
    h = jnp.take(embed_w, out_idx, axis=0)  # [B, S, bigram_dim]
    # CastedLinear (no bias); weight cast is a no-op in float32
    h = h @ proj_w.T  # [B, S, model_dim]
    return h * scale.astype(h.dtype)

if __name__ == "__main__":
    import jax
    _d = setup_inputs()
    print(jax.jit(kernel)(*tuple(_d.values())))

</pallas_src>

<mosaic_0001>
#map = affine_map<(d0, d1) -> (0)>
#map1 = affine_map<(d0, d1) -> (0, 0)>
module attributes {stable_mosaic.version = 14 : i64} {
  func.func @sc_gather(%arg0: i32, %arg1: i32, %arg2: memref<32768xi32, #tpu.memory_space<hbm>>, %arg3: memref<32768xi32, #tpu.memory_space<hbm>>, %arg4: memref<1000000x64xf32, #tpu.memory_space<hbm>>, %arg5: memref<32768x64xf32, #tpu.memory_space<hbm>>, %arg6: memref<1024xi32, #tpu.memory_space<vmem>>, %arg7: memref<1024xi32, #tpu.memory_space<vmem>>, %arg8: memref<1024xi32, #tpu.memory_space<vmem>>, %arg9: memref<1024x64xf32, #tpu.memory_space<vmem>>, %arg10: memref<!tpu.dma_semaphore, #tpu.memory_space<semaphore_mem>>) attributes {dimension_semantics = [#tpu.dimension_semantics<core_parallel>, #tpu.dimension_semantics<subcore_parallel>], iteration_bounds = array<i64: 2, 16>, scalar_prefetch = 0 : i64, scratch_operands = 5 : i64, tpu.core_type = #tpu.core_type<sc_vector_subcore>, window_params = [{transform_indices = #map}, {transform_indices = #map}, {transform_indices = #map1}, {transform_indices = #map1}]} {
    %mul3A = arith.constant 2 : i32
    %mul3A_0 = arith.muli %arg1, %mul3A : i32
    %add3A = arith.addi %mul3A_0, %arg0 : i32
    %mul3A_1 = arith.constant 1024 : i32
    %mul3A_2 = arith.muli %add3A, %mul3A_1 : i32
    "tpu.region"() ({
      %run_scoped3A = tpu.sem_alloc : memref<!tpu.dma_semaphore, #tpu.memory_space<semaphore_mem>>
      %dma_start3A_134 = tpu.memref_slice %arg2[%mul3A_2] : memref<32768xi32, #tpu.memory_space<hbm>> -> memref<1024xi32, #tpu.memory_space<hbm>>
      %dma_start3A_135 = tpu.memref_slice %arg2[%mul3A_2] : memref<32768xi32, #tpu.memory_space<hbm>> -> memref<1024xi32, #tpu.memory_space<hbm>>
      tpu.enqueue_dma source(%dma_start3A_135 : memref<1024xi32, #tpu.memory_space<hbm>>) target(%arg6 : memref<1024xi32, #tpu.memory_space<vmem>>) target_semaphore(%run_scoped3A : memref<!tpu.dma_semaphore, #tpu.memory_space<semaphore_mem>>)
      %dma_wait3A_136 = tpu.memref_slice %arg2[%mul3A_2] : memref<32768xi32, #tpu.memory_space<hbm>> -> memref<1024xi32, #tpu.memory_space<hbm>>
      %dma_wait3A_137 = tpu.memref_slice %arg2[%mul3A_2] : memref<32768xi32, #tpu.memory_space<hbm>> -> memref<1024xi32, #tpu.memory_space<hbm>>
      tpu.wait_dma2 semaphore(%run_scoped3A : memref<!tpu.dma_semaphore, #tpu.memory_space<semaphore_mem>>) src(%dma_wait3A_137 : memref<1024xi32, #tpu.memory_space<hbm>>) dst(%arg6 : memref<1024xi32, #tpu.memory_space<vmem>>)
      tpu.yield
    }) : () -> ()
    "tpu.region"() ({
      %run_scoped3A = tpu.sem_alloc : memref<!tpu.dma_semaphore, #tpu.memory_space<semaphore_mem>>
      %dma_start3A_134 = tpu.memref_slice %arg3[%mul3A_2] : memref<32768xi32, #tpu.memory_space<hbm>> -> memref<1024xi32, #tpu.memory_space<hbm>>
      %dma_start3A_135 = tpu.memref_slice %arg3[%mul3A_2] : memref<32768xi32, #tpu.memory_space<hbm>> -> memref<1024xi32, #tpu.memory_space<hbm>>
      tpu.enqueue_dma source(%dma_start3A_135 : memref<1024xi32, #tpu.memory_space<hbm>>) target(%arg7 : memref<1024xi32, #tpu.memory_space<vmem>>) target_semaphore(%run_scoped3A : memref<!tpu.dma_semaphore, #tpu.memory_space<semaphore_mem>>)
      %dma_wait3A_136 = tpu.memref_slice %arg3[%mul3A_2] : memref<32768xi32, #tpu.memory_space<hbm>> -> memref<1024xi32, #tpu.memory_space<hbm>>
      %dma_wait3A_137 = tpu.memref_slice %arg3[%mul3A_2] : memref<32768xi32, #tpu.memory_space<hbm>> -> memref<1024xi32, #tpu.memory_space<hbm>>
      tpu.wait_dma2 semaphore(%run_scoped3A : memref<!tpu.dma_semaphore, #tpu.memory_space<semaphore_mem>>) src(%dma_wait3A_137 : memref<1024xi32, #tpu.memory_space<hbm>>) dst(%arg7 : memref<1024xi32, #tpu.memory_space<vmem>>)
      tpu.yield
    }) : () -> ()
    %scan3A = arith.constant 0 : i32
    %scan3A_3 = arith.constant 0 : i32
    %scan3A_4 = arith.constant 64 : i32
    %scan3A_5 = arith.addi %scan3A_3, %scan3A_4 : i32
    %scan3A_6 = arith.constant 1 : i32
    scf.for %scan3A_134 = %scan3A_3 to %scan3A_5 step %scan3A_6  : i32 {
      %mul3A_135 = arith.constant 16 : i32
      %mul3A_136 = arith.muli %scan3A_134, %mul3A_135 : i32
      %get3A = arith.index_cast %mul3A_136 : i32 to index
      %get3A_137 = tpu.vector_load %arg6[%get3A] {strides = array<i32>} : memref<1024xi32, #tpu.memory_space<vmem>>, vector<16xi32>,
      %get3A_138 = vector.shape_cast %get3A_137 : vector<16xi32> to vector<16xi32>
      %get3A_139 = arith.index_cast %mul3A_136 : i32 to index
      %get3A_140 = tpu.vector_load %arg7[%get3A_139] {strides = array<i32>} : memref<1024xi32, #tpu.memory_space<vmem>>, vector<16xi32>,
      %get3A_141 = vector.shape_cast %get3A_140 : vector<16xi32> to vector<16xi32>
      %mul3A_142 = arith.constant 36313 : i32
      %mul3A_143 = vector.broadcast %mul3A_142 : i32 to vector<16xi32>
      %mul3A_144 = arith.muli %mul3A_143, %get3A_138 : vector<16xi32>
      %mul3A_145 = arith.constant 27191 : i32
      %mul3A_146 = vector.broadcast %mul3A_145 : i32 to vector<16xi32>
      %mul3A_147 = arith.muli %mul3A_146, %get3A_141 : vector<16xi32>
      %xor3A = arith.xori %mul3A_144, %mul3A_147 : vector<16xi32>
      %rem3A = arith.constant 999999 : i32
      %rem3A_148 = vector.broadcast %rem3A : i32 to vector<16xi32>
      %rem3A_149 = arith.remsi %xor3A, %rem3A_148 : vector<16xi32>
      %lt3A = arith.constant 0 : i32
      %lt3A_150 = vector.broadcast %lt3A : i32 to vector<16xi32>
      %lt3A_151 = arith.cmpi slt, %rem3A_149, %lt3A_150 : vector<16xi32>
      %add3A_152 = arith.constant 999999 : i32
      %add3A_153 = vector.broadcast %add3A_152 : i32 to vector<16xi32>
      %add3A_154 = arith.addi %rem3A_149, %add3A_153 : vector<16xi32>
      %select_n3A = arith.select %lt3A_151, %add3A_154, %rem3A_149 : vector<16xi1>, vector<16xi32>
      %mul3A_155 = arith.constant 16 : i32
      %mul3A_156 = arith.muli %scan3A_134, %mul3A_155 : i32
      %add3A_157 = arith.addi %mul3A_2, %mul3A_156 : i32
      %iota3A = tpu.iota {dimensions = array<i32: 0>} : vector<16xi32>
      %add3A_158 = vector.broadcast %add3A_157 : i32 to vector<16xi32>
      %add3A_159 = arith.addi %add3A_158, %iota3A : vector<16xi32>
      %and3A = arith.constant 8191 : i32
      %and3A_160 = vector.broadcast %and3A : i32 to vector<16xi32>
      %and3A_161 = arith.andi %add3A_159, %and3A_160 : vector<16xi32>
      %eq3A = arith.constant 0 : i32
      %eq3A_162 = vector.broadcast %eq3A : i32 to vector<16xi32>
      %eq3A_163 = arith.cmpi eq, %and3A_161, %eq3A_162 : vector<16xi32>
      %jit3A = arith.constant 999999 : i32
      %broadcast_in_dim3A = vector.broadcast %jit3A : i32 to vector<16xi32>
      %select_n3A_164 = arith.select %eq3A_163, %broadcast_in_dim3A, %select_n3A : vector<16xi1>, vector<16xi32>
      %swap3A = arith.index_cast %mul3A_136 : i32 to index
      %swap3A_165 = tpu.vector_load %arg8[%swap3A] {strides = array<i32>} : memref<1024xi32, #tpu.memory_space<vmem>>, vector<16xi32>,
      %swap3A_166 = vector.shape_cast %swap3A_165 : vector<16xi32> to vector<16xi32>
      %swap3A_167 = vector.shape_cast %select_n3A_164 : vector<16xi32> to vector<16xi32>
      tpu.vector_store %arg8[%swap3A], %swap3A_167 {strides = array<i32>} : memref<1024xi32, #tpu.memory_space<vmem>>, vector<16xi32>,
    }
    %scan3A_7 = arith.constant 64 : i32
    %dma_start3A = arith.constant 0 : i32
    %dma_start3A_8 = arith.constant 0 : i32
    %dma_start3A_9 = tpu.memref_slice %arg9[%dma_start3A, %dma_start3A_8] : memref<1024x64xf32, #tpu.memory_space<vmem>> -> memref<128x64xf32, #tpu.memory_space<vmem>>
    %dma_start3A_10 = arith.constant 0 : i32
    %dma_start3A_11 = tpu.memref_slice %arg8[%dma_start3A_10] : memref<1024xi32, #tpu.memory_space<vmem>> -> memref<128xi32, #tpu.memory_space<vmem>>
    %dma_start3A_12 = arith.constant 0 : i32
    %dma_start3A_13 = arith.constant 0 : i32
    %dma_start3A_14 = tpu.memref_slice %arg4[%dma_start3A_12, %dma_start3A_13] : memref<1000000x64xf32, #tpu.memory_space<hbm>> -> memref<1000000x64xf32, #tpu.memory_space<hbm>>
    tpu.enqueue_indirect_dma source(%dma_start3A_14 : memref<1000000x64xf32, #tpu.memory_space<hbm>>) target(%dma_start3A_9 : memref<128x64xf32, #tpu.memory_space<vmem>>) offsets(%dma_start3A_11 : memref<128xi32, #tpu.memory_space<vmem>>) semaphore(%arg10 : memref<!tpu.dma_semaphore, #tpu.memory_space<semaphore_mem>>)
    %dma_start3A_15 = arith.constant 128 : i32
    %dma_start3A_16 = arith.constant 0 : i32
    %dma_start3A_17 = tpu.memref_slice %arg9[%dma_start3A_15, %dma_start3A_16] : memref<1024x64xf32, #tpu.memory_space<vmem>> -> memref<128x64xf32, #tpu.memory_space<vmem>>
    %dma_start3A_18 = arith.constant 128 : i32
    %dma_start3A_19 = tpu.memref_slice %arg8[%dma_start3A_18] : memref<1024xi32, #tpu.memory_space<vmem>> -> memref<128xi32, #tpu.memory_space<vmem>>
    %dma_start3A_20 = arith.constant 0 : i32
    %dma_start3A_21 = arith.constant 0 : i32
    %dma_start3A_22 = tpu.memref_slice %arg4[%dma_start3A_20, %dma_start3A_21] : memref<1000000x64xf32, #tpu.memory_space<hbm>> -> memref<1000000x64xf32, #tpu.memory_space<hbm>>
    tpu.enqueue_indirect_dma source(%dma_start3A_22 : memref<1000000x64xf32, #tpu.memory_space<hbm>>) target(%dma_start3A_17 : memref<128x64xf32, #tpu.memory_space<vmem>>) offsets(%dma_start3A_19 : memref<128xi32, #tpu.memory_space<vmem>>) semaphore(%arg10 : memref<!tpu.dma_semaphore, #tpu.memory_space<semaphore_mem>>)
    %dma_start3A_23 = arith.constant 256 : i32
    %dma_start3A_24 = arith.constant 0 : i32
    %dma_start3A_25 = tpu.memref_slice %arg9[%dma_start3A_23, %dma_start3A_24] : memref<1024x64xf32, #tpu.memory_space<vmem>> -> memref<128x64xf32, #tpu.memory_space<vmem>>
    %dma_start3A_26 = arith.constant 256 : i32
    %dma_start3A_27 = tpu.memref_slice %arg8[%dma_start3A_26] : memref<1024xi32, #tpu.memory_space<vmem>> -> memref<128xi32, #tpu.memory_space<vmem>>
    %dma_start3A_28 = arith.constant 0 : i32
    %dma_start3A_29 = arith.constant 0 : i32
    %dma_start3A_30 = tpu.memref_slice %arg4[%dma_start3A_28, %dma_start3A_29] : memref<1000000x64xf32, #tpu.memory_space<hbm>> -> memref<1000000x64xf32, #tpu.memory_space<hbm>>
    tpu.enqueue_indirect_dma source(%dma_start3A_30 : memref<1000000x64xf32, #tpu.memory_space<hbm>>) target(%dma_start3A_25 : memref<128x64xf32, #tpu.memory_space<vmem>>) offsets(%dma_start3A_27 : memref<128xi32, #tpu.memory_space<vmem>>) semaphore(%arg10 : memref<!tpu.dma_semaphore, #tpu.memory_space<semaphore_mem>>)
    %dma_start3A_31 = arith.constant 384 : i32
    %dma_start3A_32 = arith.constant 0 : i32
    %dma_start3A_33 = tpu.memref_slice %arg9[%dma_start3A_31, %dma_start3A_32] : memref<1024x64xf32, #tpu.memory_space<vmem>> -> memref<128x64xf32, #tpu.memory_space<vmem>>
    %dma_start3A_34 = arith.constant 384 : i32
    %dma_start3A_35 = tpu.memref_slice %arg8[%dma_start3A_34] : memref<1024xi32, #tpu.memory_space<vmem>> -> memref<128xi32, #tpu.memory_space<vmem>>
    %dma_start3A_36 = arith.constant 0 : i32
    %dma_start3A_37 = arith.constant 0 : i32
    %dma_start3A_38 = tpu.memref_slice %arg4[%dma_start3A_36, %dma_start3A_37] : memref<1000000x64xf32, #tpu.memory_space<hbm>> -> memref<1000000x64xf32, #tpu.memory_space<hbm>>
    tpu.enqueue_indirect_dma source(%dma_start3A_38 : memref<1000000x64xf32, #tpu.memory_space<hbm>>) target(%dma_start3A_33 : memref<128x64xf32, #tpu.memory_space<vmem>>) offsets(%dma_start3A_35 : memref<128xi32, #tpu.memory_space<vmem>>) semaphore(%arg10 : memref<!tpu.dma_semaphore, #tpu.memory_space<semaphore_mem>>)
    %dma_start3A_39 = arith.constant 512 : i32
    %dma_start3A_40 = arith.constant 0 : i32
    %dma_start3A_41 = tpu.memref_slice %arg9[%dma_start3A_39, %dma_start3A_40] : memref<1024x64xf32, #tpu.memory_space<vmem>> -> memref<128x64xf32, #tpu.memory_space<vmem>>
    %dma_start3A_42 = arith.constant 512 : i32
    %dma_start3A_43 = tpu.memref_slice %arg8[%dma_start3A_42] : memref<1024xi32, #tpu.memory_space<vmem>> -> memref<128xi32, #tpu.memory_space<vmem>>
    %dma_start3A_44 = arith.constant 0 : i32
    %dma_start3A_45 = arith.constant 0 : i32
    %dma_start3A_46 = tpu.memref_slice %arg4[%dma_start3A_44, %dma_start3A_45] : memref<1000000x64xf32, #tpu.memory_space<hbm>> -> memref<1000000x64xf32, #tpu.memory_space<hbm>>
    tpu.enqueue_indirect_dma source(%dma_start3A_46 : memref<1000000x64xf32, #tpu.memory_space<hbm>>) target(%dma_start3A_41 : memref<128x64xf32, #tpu.memory_space<vmem>>) offsets(%dma_start3A_43 : memref<128xi32, #tpu.memory_space<vmem>>) semaphore(%arg10 : memref<!tpu.dma_semaphore, #tpu.memory_space<semaphore_mem>>)
    %dma_start3A_47 = arith.constant 640 : i32
    %dma_start3A_48 = arith.constant 0 : i32
    %dma_start3A_49 = tpu.memref_slice %arg9[%dma_start3A_47, %dma_start3A_48] : memref<1024x64xf32, #tpu.memory_space<vmem>> -> memref<128x64xf32, #tpu.memory_space<vmem>>
    %dma_start3A_50 = arith.constant 640 : i32
    %dma_start3A_51 = tpu.memref_slice %arg8[%dma_start3A_50] : memref<1024xi32, #tpu.memory_space<vmem>> -> memref<128xi32, #tpu.memory_space<vmem>>
    %dma_start3A_52 = arith.constant 0 : i32
    %dma_start3A_53 = arith.constant 0 : i32
    %dma_start3A_54 = tpu.memref_slice %arg4[%dma_start3A_52, %dma_start3A_53] : memref<1000000x64xf32, #tpu.memory_space<hbm>> -> memref<1000000x64xf32, #tpu.memory_space<hbm>>
    tpu.enqueue_indirect_dma source(%dma_start3A_54 : memref<1000000x64xf32, #tpu.memory_space<hbm>>) target(%dma_start3A_49 : memref<128x64xf32, #tpu.memory_space<vmem>>) offsets(%dma_start3A_51 : memref<128xi32, #tpu.memory_space<vmem>>) semaphore(%arg10 : memref<!tpu.dma_semaphore, #tpu.memory_space<semaphore_mem>>)
    %dma_start3A_55 = arith.constant 768 : i32
    %dma_start3A_56 = arith.constant 0 : i32
    %dma_start3A_57 = tpu.memref_slice %arg9[%dma_start3A_55, %dma_start3A_56] : memref<1024x64xf32, #tpu.memory_space<vmem>> -> memref<128x64xf32, #tpu.memory_space<vmem>>
    %dma_start3A_58 = arith.constant 768 : i32
    %dma_start3A_59 = tpu.memref_slice %arg8[%dma_start3A_58] : memref<1024xi32, #tpu.memory_space<vmem>> -> memref<128xi32, #tpu.memory_space<vmem>>
    %dma_start3A_60 = arith.constant 0 : i32
    %dma_start3A_61 = arith.constant 0 : i32
    %dma_start3A_62 = tpu.memref_slice %arg4[%dma_start3A_60, %dma_start3A_61] : memref<1000000x64xf32, #tpu.memory_space<hbm>> -> memref<1000000x64xf32, #tpu.memory_space<hbm>>
    tpu.enqueue_indirect_dma source(%dma_start3A_62 : memref<1000000x64xf32, #tpu.memory_space<hbm>>) target(%dma_start3A_57 : memref<128x64xf32, #tpu.memory_space<vmem>>) offsets(%dma_start3A_59 : memref<128xi32, #tpu.memory_space<vmem>>) semaphore(%arg10 : memref<!tpu.dma_semaphore, #tpu.memory_space<semaphore_mem>>)
    %dma_start3A_63 = arith.constant 896 : i32
    %dma_start3A_64 = arith.constant 0 : i32
    %dma_start3A_65 = tpu.memref_slice %arg9[%dma_start3A_63, %dma_start3A_64] : memref<1024x64xf32, #tpu.memory_space<vmem>> -> memref<128x64xf32, #tpu.memory_space<vmem>>
    %dma_start3A_66 = arith.constant 896 : i32
    %dma_start3A_67 = tpu.memref_slice %arg8[%dma_start3A_66] : memref<1024xi32, #tpu.memory_space<vmem>> -> memref<128xi32, #tpu.memory_space<vmem>>
    %dma_start3A_68 = arith.constant 0 : i32
    %dma_start3A_69 = arith.constant 0 : i32
    %dma_start3A_70 = tpu.memref_slice %arg4[%dma_start3A_68, %dma_start3A_69] : memref<1000000x64xf32, #tpu.memory_space<hbm>> -> memref<1000000x64xf32, #tpu.memory_space<hbm>>
    tpu.enqueue_indirect_dma source(%dma_start3A_70 : memref<1000000x64xf32, #tpu.memory_space<hbm>>) target(%dma_start3A_65 : memref<128x64xf32, #tpu.memory_space<vmem>>) offsets(%dma_start3A_67 : memref<128xi32, #tpu.memory_space<vmem>>) semaphore(%arg10 : memref<!tpu.dma_semaphore, #tpu.memory_space<semaphore_mem>>)
    %dma_wait3A = arith.constant 0 : i32
    %dma_wait3A_71 = arith.constant 0 : i32
    %dma_wait3A_72 = tpu.memref_slice %arg9[%dma_wait3A, %dma_wait3A_71] : memref<1024x64xf32, #tpu.memory_space<vmem>> -> memref<128x64xf32, #tpu.memory_space<vmem>>
    %dma_wait3A_73 = arith.constant 0 : i32
    %dma_wait3A_74 = tpu.memref_slice %arg8[%dma_wait3A_73] : memref<1024xi32, #tpu.memory_space<vmem>> -> memref<128xi32, #tpu.memory_space<vmem>>
    %dma_wait3A_75 = arith.constant 0 : i32
    %dma_wait3A_76 = arith.constant 0 : i32
    %dma_wait3A_77 = tpu.memref_slice %arg4[%dma_wait3A_75, %dma_wait3A_76] : memref<1000000x64xf32, #tpu.memory_space<hbm>> -> memref<1000000x64xf32, #tpu.memory_space<hbm>>
    tpu.wait_indirect_dma semaphore(%arg10 : memref<!tpu.dma_semaphore, #tpu.memory_space<semaphore_mem>>) src(%dma_wait3A_77 : memref<1000000x64xf32, #tpu.memory_space<hbm>>) dst(%dma_wait3A_72 : memref<128x64xf32, #tpu.memory_space<vmem>>)
    %dma_wait3A_78 = arith.constant 128 : i32
    %dma_wait3A_79 = arith.constant 0 : i32
    %dma_wait3A_80 = tpu.memref_slice %arg9[%dma_wait3A_78, %dma_wait3A_79] : memref<1024x64xf32, #tpu.memory_space<vmem>> -> memref<128x64xf32, #tpu.memory_space<vmem>>
    %dma_wait3A_81 = arith.constant 128 : i32
    %dma_wait3A_82 = tpu.memref_slice %arg8[%dma_wait3A_81] : memref<1024xi32, #tpu.memory_space<vmem>> -> memref<128xi32, #tpu.memory_space<vmem>>
    %dma_wait3A_83 = arith.constant 0 : i32
    %dma_wait3A_84 = arith.constant 0 : i32
    %dma_wait3A_85 = tpu.memref_slice %arg4[%dma_wait3A_83, %dma_wait3A_84] : memref<1000000x64xf32, #tpu.memory_space<hbm>> -> memref<1000000x64xf32, #tpu.memory_space<hbm>>
    tpu.wait_indirect_dma semaphore(%arg10 : memref<!tpu.dma_semaphore, #tpu.memory_space<semaphore_mem>>) src(%dma_wait3A_85 : memref<1000000x64xf32, #tpu.memory_space<hbm>>) dst(%dma_wait3A_80 : memref<128x64xf32, #tpu.memory_space<vmem>>)
    %dma_wait3A_86 = arith.constant 256 : i32
    %dma_wait3A_87 = arith.constant 0 : i32
    %dma_wait3A_88 = tpu.memref_slice %arg9[%dma_wait3A_86, %dma_wait3A_87] : memref<1024x64xf32, #tpu.memory_space<vmem>> -> memref<128x64xf32, #tpu.memory_space<vmem>>
    %dma_wait3A_89 = arith.constant 256 : i32
    %dma_wait3A_90 = tpu.memref_slice %arg8[%dma_wait3A_89] : memref<1024xi32, #tpu.memory_space<vmem>> -> memref<128xi32, #tpu.memory_space<vmem>>
    %dma_wait3A_91 = arith.constant 0 : i32
    %dma_wait3A_92 = arith.constant 0 : i32
    %dma_wait3A_93 = tpu.memref_slice %arg4[%dma_wait3A_91, %dma_wait3A_92] : memref<1000000x64xf32, #tpu.memory_space<hbm>> -> memref<1000000x64xf32, #tpu.memory_space<hbm>>
    tpu.wait_indirect_dma semaphore(%arg10 : memref<!tpu.dma_semaphore, #tpu.memory_space<semaphore_mem>>) src(%dma_wait3A_93 : memref<1000000x64xf32, #tpu.memory_space<hbm>>) dst(%dma_wait3A_88 : memref<128x64xf32, #tpu.memory_space<vmem>>)
    %dma_wait3A_94 = arith.constant 384 : i32
    %dma_wait3A_95 = arith.constant 0 : i32
    %dma_wait3A_96 = tpu.memref_slice %arg9[%dma_wait3A_94, %dma_wait3A_95] : memref<1024x64xf32, #tpu.memory_space<vmem>> -> memref<128x64xf32, #tpu.memory_space<vmem>>
    %dma_wait3A_97 = arith.constant 384 : i32
    %dma_wait3A_98 = tpu.memref_slice %arg8[%dma_wait3A_97] : memref<1024xi32, #tpu.memory_space<vmem>> -> memref<128xi32, #tpu.memory_space<vmem>>
    %dma_wait3A_99 = arith.constant 0 : i32
    %dma_wait3A_100 = arith.constant 0 : i32
    %dma_wait3A_101 = tpu.memref_slice %arg4[%dma_wait3A_99, %dma_wait3A_100] : memref<1000000x64xf32, #tpu.memory_space<hbm>> -> memref<1000000x64xf32, #tpu.memory_space<hbm>>
    tpu.wait_indirect_dma semaphore(%arg10 : memref<!tpu.dma_semaphore, #tpu.memory_space<semaphore_mem>>) src(%dma_wait3A_101 : memref<1000000x64xf32, #tpu.memory_space<hbm>>) dst(%dma_wait3A_96 : memref<128x64xf32, #tpu.memory_space<vmem>>)
    %dma_wait3A_102 = arith.constant 512 : i32
    %dma_wait3A_103 = arith.constant 0 : i32
    %dma_wait3A_104 = tpu.memref_slice %arg9[%dma_wait3A_102, %dma_wait3A_103] : memref<1024x64xf32, #tpu.memory_space<vmem>> -> memref<128x64xf32, #tpu.memory_space<vmem>>
    %dma_wait3A_105 = arith.constant 512 : i32
    %dma_wait3A_106 = tpu.memref_slice %arg8[%dma_wait3A_105] : memref<1024xi32, #tpu.memory_space<vmem>> -> memref<128xi32, #tpu.memory_space<vmem>>
    %dma_wait3A_107 = arith.constant 0 : i32
    %dma_wait3A_108 = arith.constant 0 : i32
    %dma_wait3A_109 = tpu.memref_slice %arg4[%dma_wait3A_107, %dma_wait3A_108] : memref<1000000x64xf32, #tpu.memory_space<hbm>> -> memref<1000000x64xf32, #tpu.memory_space<hbm>>
    tpu.wait_indirect_dma semaphore(%arg10 : memref<!tpu.dma_semaphore, #tpu.memory_space<semaphore_mem>>) src(%dma_wait3A_109 : memref<1000000x64xf32, #tpu.memory_space<hbm>>) dst(%dma_wait3A_104 : memref<128x64xf32, #tpu.memory_space<vmem>>)
    %dma_wait3A_110 = arith.constant 640 : i32
    %dma_wait3A_111 = arith.constant 0 : i32
    %dma_wait3A_112 = tpu.memref_slice %arg9[%dma_wait3A_110, %dma_wait3A_111] : memref<1024x64xf32, #tpu.memory_space<vmem>> -> memref<128x64xf32, #tpu.memory_space<vmem>>
    %dma_wait3A_113 = arith.constant 640 : i32
    %dma_wait3A_114 = tpu.memref_slice %arg8[%dma_wait3A_113] : memref<1024xi32, #tpu.memory_space<vmem>> -> memref<128xi32, #tpu.memory_space<vmem>>
    %dma_wait3A_115 = arith.constant 0 : i32
    %dma_wait3A_116 = arith.constant 0 : i32
    %dma_wait3A_117 = tpu.memref_slice %arg4[%dma_wait3A_115, %dma_wait3A_116] : memref<1000000x64xf32, #tpu.memory_space<hbm>> -> memref<1000000x64xf32, #tpu.memory_space<hbm>>
    tpu.wait_indirect_dma semaphore(%arg10 : memref<!tpu.dma_semaphore, #tpu.memory_space<semaphore_mem>>) src(%dma_wait3A_117 : memref<1000000x64xf32, #tpu.memory_space<hbm>>) dst(%dma_wait3A_112 : memref<128x64xf32, #tpu.memory_space<vmem>>)
    %dma_wait3A_118 = arith.constant 768 : i32
    %dma_wait3A_119 = arith.constant 0 : i32
    %dma_wait3A_120 = tpu.memref_slice %arg9[%dma_wait3A_118, %dma_wait3A_119] : memref<1024x64xf32, #tpu.memory_space<vmem>> -> memref<128x64xf32, #tpu.memory_space<vmem>>
    %dma_wait3A_121 = arith.constant 768 : i32
    %dma_wait3A_122 = tpu.memref_slice %arg8[%dma_wait3A_121] : memref<1024xi32, #tpu.memory_space<vmem>> -> memref<128xi32, #tpu.memory_space<vmem>>
    %dma_wait3A_123 = arith.constant 0 : i32
    %dma_wait3A_124 = arith.constant 0 : i32
    %dma_wait3A_125 = tpu.memref_slice %arg4[%dma_wait3A_123, %dma_wait3A_124] : memref<1000000x64xf32, #tpu.memory_space<hbm>> -> memref<1000000x64xf32, #tpu.memory_space<hbm>>
    tpu.wait_indirect_dma semaphore(%arg10 : memref<!tpu.dma_semaphore, #tpu.memory_space<semaphore_mem>>) src(%dma_wait3A_125 : memref<1000000x64xf32, #tpu.memory_space<hbm>>) dst(%dma_wait3A_120 : memref<128x64xf32, #tpu.memory_space<vmem>>)
    %dma_wait3A_126 = arith.constant 896 : i32
    %dma_wait3A_127 = arith.constant 0 : i32
    %dma_wait3A_128 = tpu.memref_slice %arg9[%dma_wait3A_126, %dma_wait3A_127] : memref<1024x64xf32, #tpu.memory_space<vmem>> -> memref<128x64xf32, #tpu.memory_space<vmem>>
    %dma_wait3A_129 = arith.constant 896 : i32
    %dma_wait3A_130 = tpu.memref_slice %arg8[%dma_wait3A_129] : memref<1024xi32, #tpu.memory_space<vmem>> -> memref<128xi32, #tpu.memory_space<vmem>>
    %dma_wait3A_131 = arith.constant 0 : i32
    %dma_wait3A_132 = arith.constant 0 : i32
    %dma_wait3A_133 = tpu.memref_slice %arg4[%dma_wait3A_131, %dma_wait3A_132] : memref<1000000x64xf32, #tpu.memory_space<hbm>> -> memref<1000000x64xf32, #tpu.memory_space<hbm>>
    tpu.wait_indirect_dma semaphore(%arg10 : memref<!tpu.dma_semaphore, #tpu.memory_space<semaphore_mem>>) src(%dma_wait3A_133 : memref<1000000x64xf32, #tpu.memory_space<hbm>>) dst(%dma_wait3A_128 : memref<128x64xf32, #tpu.memory_space<vmem>>)
    "tpu.region"() ({
      %run_scoped3A = tpu.sem_alloc : memref<!tpu.dma_semaphore, #tpu.memory_space<semaphore_mem>>
      %dma_start3A_134 = arith.constant 0 : i32
      %dma_start3A_135 = tpu.memref_slice %arg5[%mul3A_2, %dma_start3A_134] : memref<32768x64xf32, #tpu.memory_space<hbm>> -> memref<1024x64xf32, #tpu.memory_space<hbm>>
      %dma_start3A_136 = arith.constant 0 : i32
      %dma_start3A_137 = tpu.memref_slice %arg5[%mul3A_2, %dma_start3A_136] : memref<32768x64xf32, #tpu.memory_space<hbm>> -> memref<1024x64xf32, #tpu.memory_space<hbm>>
      tpu.enqueue_dma source(%arg9 : memref<1024x64xf32, #tpu.memory_space<vmem>>) target(%dma_start3A_137 : memref<1024x64xf32, #tpu.memory_space<hbm>>) target_semaphore(%run_scoped3A : memref<!tpu.dma_semaphore, #tpu.memory_space<semaphore_mem>>)
      %dma_wait3A_138 = arith.constant 0 : i32
      %dma_wait3A_139 = tpu.memref_slice %arg5[%mul3A_2, %dma_wait3A_138] : memref<32768x64xf32, #tpu.memory_space<hbm>> -> memref<1024x64xf32, #tpu.memory_space<hbm>>
      %dma_wait3A_140 = arith.constant 0 : i32
      %dma_wait3A_141 = tpu.memref_slice %arg5[%mul3A_2, %dma_wait3A_140] : memref<32768x64xf32, #tpu.memory_space<hbm>> -> memref<1024x64xf32, #tpu.memory_space<hbm>>
      tpu.wait_dma2 semaphore(%run_scoped3A : memref<!tpu.dma_semaphore, #tpu.memory_space<semaphore_mem>>) src(%arg9 : memref<1024x64xf32, #tpu.memory_space<vmem>>) dst(%dma_wait3A_141 : memref<1024x64xf32, #tpu.memory_space<hbm>>)
      tpu.yield
    }) : () -> ()
    return
  }
}

module attributes {stable_mosaic.version = 14 : i64} {
  func.func @_mm_body(%arg0: i32, %arg1: memref<1024x64xf32, #tpu.memory_space<vmem>>, %arg2: memref<1024x64xf32, #tpu.memory_space<vmem>>, %arg3: memref<1x1xf32, #tpu.memory_space<smem>>, %arg4: memref<1024x1024xf32, #tpu.memory_space<vmem>>) attributes {dimension_semantics = [#tpu.dimension_semantics<arbitrary>], iteration_bounds = array<i64: 32>, scalar_prefetch = 0 : i64, scratch_operands = 0 : i64, tpu.core_type = #tpu.core_type<tc>, window_params = [{transform_indices = @transform_0, window_bounds = array<i64: 1024, 64>}, {pipeline_mode = #tpu.pipeline_mode<synchronous>, transform_indices = @transform_1, window_bounds = array<i64: 1024, 64>}, {transform_indices = @transform_2, window_bounds = array<i64: 1, 1>}, {transform_indices = @transform_3, window_bounds = array<i64: 1024, 1024>}]} {
    %get3A = arith.constant 0 : index
    %get3A_0 = arith.constant 0 : index
    %get3A_1 = vector.load %arg1[%get3A, %get3A_0] : memref<1024x64xf32, #tpu.memory_space<vmem>>, vector<1024x64xf32>
    %get3A_2 = arith.constant 0 : index
    %get3A_3 = arith.constant 0 : index
    %get3A_4 = vector.load %arg2[%get3A_2, %get3A_3] : memref<1024x64xf32, #tpu.memory_space<vmem>>, vector<1024x64xf32>
    %dot_general3A = arith.constant dense<0.000000e+00> : vector<1024x1024xf32>
    %dot_general3A_5 = tpu.matmul %get3A_1, %get3A_4, %dot_general3A {dimension_numbers = #tpu.dot_dimension_numbers<[1], [1], [0], [0], [0, 0, 1, 0], [], []>, transpose_lhs_hint = false} : vector<1024x64xf32>, vector<1024x64xf32>, vector<1024x1024xf32> -> vector<1024x1024xf32>
    %get3A_6 = arith.constant 0 : index
    %get3A_7 = arith.constant 0 : index
    %get3A_8 = memref.load %arg3[%get3A_6, %get3A_7] : memref<1x1xf32, #tpu.memory_space<smem>>
    %mul3A = vector.broadcast %get3A_8 : f32 to vector<1024x1024xf32>
    %mul3A_9 = arith.mulf %dot_general3A_5, %mul3A : vector<1024x1024xf32>
    %swap3A = arith.constant 0 : index
    %swap3A_10 = arith.constant 0 : index
    %swap3A_11 = vector.load %arg4[%swap3A, %swap3A_10] : memref<1024x1024xf32, #tpu.memory_space<vmem>>, vector<1024x1024xf32>
    tpu.vector_store %arg4[%swap3A, %swap3A_10], %mul3A_9 {strides = array<i32>} : memref<1024x1024xf32, #tpu.memory_space<vmem>>, vector<1024x1024xf32>,
    return
  }
  func.func @transform_0(%arg0: i32) -> (i32, i32) {
    %c0_i32 = arith.constant 0 : i32
    %c0_i32_0 = arith.constant 0 : i32
    return %arg0, %c0_i32 : i32, i32
  }
  func.func @transform_1(%arg0: i32) -> (i32, i32) {
    %c0_i32 = arith.constant 0 : i32
    %c0_i32_0 = arith.constant 0 : i32
    %c0_i32_1 = arith.constant 0 : i32
    return %c0_i32, %c0_i32_0 : i32, i32
  }
  func.func @transform_2(%arg0: i32) -> (i32, i32) {
    %c0_i32 = arith.constant 0 : i32
    %c0_i32_0 = arith.constant 0 : i32
    %c0_i32_1 = arith.constant 0 : i32
    return %c0_i32, %c0_i32_0 : i32, i32
  }
  func.func @transform_3(%arg0: i32) -> (i32, i32) {
    %c0_i32 = arith.constant 0 : i32
    %c0_i32_0 = arith.constant 0 : i32
    return %arg0, %c0_i32 : i32, i32
  }
}

</mosaic_0001>

<sc_bundles>
// kernel: kernel.4.cloned.1.call-start
scs
__scs_entry_jumppad:
0x0: {  	(pc) =	sbr.rel $0x88, $3  }
0x1: {  	(tag) =	ssettag $0x0;
	lr =	simm.s32 $0x1  }
0x2: {  	[smem:$0x3F9D] =	sst lr;
	_ =	strace $0xD0000000  }
0x3: {  	_ = 	snop  }
0x4: {  	_ = 	snop  }
0x5: {  	_ = 	snop  }
0x6: {  	_ = 	snop  }
0x7: {  	_ = 	snop  }
__scs_overlays_trampoline_lowered:
0x8: {  	[smem:$0x3FAC] =	sst s0  }
0x9: {  	[smem:$0x3FAD] =	sst s1  }
0xa: {  	[smem:$0x3FAE] =	sst s2  }
0xb: {  	[smem:$0x3FAF] =	sst s3  }
0xc: {  	[smem:$0x3FB0] =	sst s4  }
0xd: {  	[smem:$0x3FB1] =	sst s5  }
0xe: {  	[smem:$0x3FB2] =	sst s6  }
0xf: {  	[smem:$0x3FB3] =	sst s7  }
0x10: {  	[smem:$0x3FB4] =	sst s8  }
0x11: {  	[smem:$0x3FB5] =	sst s9;
	s0 =	simm.s32 @!p0 $0x0  }
0x12: {  	s1 =	sld [smem:$0x3F9B];
	s0 =	simm.s32 @p0 $0x1  }
0x13: {  	[smem:$0x3FB6] =	sst s0;
	s0 =	simm.s32 @!p1 $0x0  }
0x14: {  	s2 =	sld [smem:$0x3F9A];
	s0 =	simm.s32 @p1 $0x1  }
0x15: {  	[smem:$0x3FB7] =	sst s0;
	s0 =	simm.s32 @!p2 $0x0  }
0x16: {  	s3 =	sld [smem:$0x3FDB];
	s0 =	simm.s32 @p2 $0x1  }
0x17: {  	s4 =	simm.s32 $0x1BF5;
	[smem:$0x3FB9] =	sst s0  }
0x18: {  	s0 =	sld [smem:$0x3F9C];
	_ =	swait.ge [sflag:s4], $0x0  }
0x19: {  	s7 =	sld [smem:$0x3F9D]  }
0x1a: {  	s8 =	sadd.s32 $0xFFFFE003, lr  }
0x1b: {  	s9 =	sadd.s32 $0xFFFFFEF7, lr;
	s5 =	simm.s32 $0xFFFFFFFF;
	p2 =	slt.u32 s8, $0xFFFFF086  }
0x1c: {  	p1 =	slt.u32 s9, $0xF7A;
	s5 =	simm.s32 @!p2 $0x0  }
0x1d: {  	s5 =	simm.s32 @p1 $0x1;
	p0 =	seq.s32 s7, s2  }
0x1e: {  	s7 =	smul.u32 @!p0 $0xF7A, s2;
	p2 =	seq.s32 @!p0 s5, $0x0  }
0x1f: {  	s9 =	smul.u32 $0xF7A, s1;
	s8 =	simm.s32 @!p0 $0x1BF5;
	p2 =	por !p2, p0  }
0x20: {  	[sflag:s8] =	ssyncset.s32 @!p0 $0xFFFFF086;
	s6 =	sadd.s32 @!p0 s3, s7;
	s7 =	simm.s32 @!p0 $0x108  }
0x21: {  	s3 =	sadd.s32 s3, s9;
	s6 =	sadd.s32 @!p0 $0x88, s6;
	s7 =	simm.s32 @p2 $0x1082  }
0x22: {  	[simem:s7], [sflag:s8] =	dma.local @!p0 [hbm:s6], $0xF7A  }
0x23: {  	s9 =	sor.u32 $0xD0000000, s2;
	s6 =	simm.s32 $0x108;
	_ =	swait.ge @!p0 [sflag:s8], $0x0  }
0x24: {  	s3 =	sadd.s32 $0x88, s3;
	s6 =	simm.s32 @!p1 $0x1082;
	[sflag:s4] =	ssyncset.s32 $0xFFFFF086  }
0x25: {  	[simem:s6], [sflag:s4] =	dma.local [hbm:s3], $0xF7A  }
0x26: {  	[smem:$0x3F9D] =	sst s1;
	(tag) =	ssettag s2;
	_ =	strace s9  }
0x27: {  	s1 =	sld [smem:$0x3FAD]  }
0x28: {  	s2 =	sld [smem:$0x3FAE]  }
0x29: {  	s4 =	sld [smem:$0x3FB0]  }
0x2a: {  	p0 =	seq.s32 s5, $0x0;
	s5 =	sld [smem:$0x3FB1]  }
0x2b: {  	s6 =	sld [smem:$0x3FB2]  }
0x2c: {  	s7 =	sld [smem:$0x3FB3]  }
0x2d: {  	s3 =	simm.s32 $0x108;
	s8 =	sld [smem:$0x3FB4]  }
0x2e: {  	s3 =	simm.s32 @!p0 $0x1082;
	s9 =	sld [smem:$0x3FB5]  }
0x2f: {  	lr =	sadd.s32 s0, s3;
	s0 =	sld [smem:$0x3FAC]  }
0x30: {  	s3 =	sld [smem:$0x3FAF]  }
0x31: {  	[smem:$0x3FB8] =	sst s10  }
0x32: {  	s10 =	sld [smem:$0x3FB6];
	_ =	sdelay $0x3  }
0x33: {  	p0 =	seq.s32 s10, $0x1;
	s10 =	sld [smem:$0x3FB8];
	_ =	sdelay $0x3  }
0x34: {  	[smem:$0x3FB8] =	sst s10  }
0x35: {  	s10 =	sld [smem:$0x3FB7];
	_ =	sdelay $0x3  }
0x36: {  	p1 =	seq.s32 s10, $0x1;
	s10 =	sld [smem:$0x3FB8];
	_ =	sdelay $0x3  }
0x37: {  	[smem:$0x3FB8] =	sst s10  }
0x38: {  	s10 =	sld [smem:$0x3FB9]  }
0x39: {  	_ = 	snop;
	(pc) =	sbr.ind lr, $3  }
0x3a: {  	_ = 	snop  }
0x3b: {  	_ = 	snop  }
0x3c: {  	p2 =	seq.s32 s10, $0x1;
	s10 =	sld [smem:$0x3FB8]  }
0x3d: {  	_ =	shalt  }
0x3e: {  	_ =	shalt  }
0x3f: {  	_ =	shalt  }
0x40: {  	_ =	shalt  }
0x41: {  	_ =	shalt  }
0x42: {  	_ =	shalt  }
0x43: {  	_ =	shalt  }
0x44: {  	_ =	shalt  }
0x45: {  	_ =	shalt  }
0x46: {  	_ =	shalt  }
0x47: {  	_ =	shalt  }
0x48: {  	_ =	shalt  }
0x49: {  	_ =	shalt  }
0x4a: {  	_ =	shalt  }
0x4b: {  	_ =	shalt  }
0x4c: {  	_ =	shalt  }
0x4d: {  	_ =	shalt  }
0x4e: {  	_ =	shalt  }
0x4f: {  	_ =	shalt  }
0x50: {  	_ =	shalt  }
0x51: {  	_ =	shalt  }
0x52: {  	_ =	shalt  }
0x53: {  	_ =	shalt  }
0x54: {  	_ =	shalt  }
0x55: {  	_ =	shalt  }
0x56: {  	_ =	shalt  }
0x57: {  	_ =	shalt  }
0x58: {  	_ =	shalt  }
0x59: {  	_ =	shalt  }
0x5a: {  	_ =	shalt  }
0x5b: {  	_ =	shalt  }
0x5c: {  	_ =	shalt  }
0x5d: {  	_ =	shalt  }
0x5e: {  	_ =	shalt  }
0x5f: {  	_ =	shalt  }
0x60: {  	_ =	shalt  }
0x61: {  	_ =	shalt  }
0x62: {  	_ =	shalt  }
0x63: {  	_ =	shalt  }
0x64: {  	_ =	shalt  }
0x65: {  	_ =	shalt  }
0x66: {  	_ =	shalt  }
0x67: {  	_ =	shalt  }
0x68: {  	_ =	shalt  }
0x69: {  	_ =	shalt  }
0x6a: {  	_ =	shalt  }
0x6b: {  	_ =	shalt  }
0x6c: {  	_ =	shalt  }
0x6d: {  	_ =	shalt  }
0x6e: {  	_ =	shalt  }
0x6f: {  	_ =	shalt  }
0x70: {  	_ =	shalt  }
0x71: {  	_ =	shalt  }
0x72: {  	_ =	shalt  }
0x73: {  	_ =	shalt  }
0x74: {  	_ =	shalt  }
0x75: {  	_ =	shalt  }
0x76: {  	_ =	shalt  }
0x77: {  	_ =	shalt  }
0x78: {  	_ =	shalt  }
0x79: {  	_ =	shalt  }
0x7a: {  	_ =	shalt  }
0x7b: {  	_ =	shalt  }
0x7c: {  	_ =	shalt  }
0x7d: {  	_ =	shalt  }
0x7e: {  	_ =	shalt  }
0x7f: {  	_ =	shalt  }
0x80: {  	_ =	shalt  }
0x81: {  	_ =	shalt  }
0x82: {  	_ =	shalt  }
0x83: {  	_ =	shalt  }
0x84: {  	_ =	shalt  }
0x85: {  	_ =	shalt  }
0x86: {  	_ =	shalt  }
0x87: {  	_ =	shalt  }
.Lfunc_end0:
.L_simem_size_0:
called_computation_lowered:
.L_overlay_start_0:
0x88: {  	s2 =	sld [smem:$0x3FD9]  }
0x89: {  	s3 =	sld [smem:$0x3FFE];
	_ =	sdelay $0x1  }
0x8a: {  	s1 =	srdreg.scid  }
0x8b: {  	s0 =	sand.u32 $0x1, s1  }
0x8c: {  	s17 =	sshll.u32 s0, $0xA;
	s2 =	sadd.s32 s3, s2  }
0x8d: {  	s2 =	sadd.s32 s2, s17  }
0x8e: {  	[smem:$0x3FC4] =	sst s2  }
0x8f: {  	_ = 	snop  }
0x90: {  	s2 =	sld [smem:$0x3FD0];
	(tm) =	ssettm $0x1  }
0x91: {  	s18 =	sld [smem:$0x3FFB];
	_ =	sdelay $0x3  }
0x92: {  	_ =	strace s18  }
0x93: {  	s3 =	sld [smem:$0x3FFC];
	_ =	sdelay $0x3  }
0x94: {  	_ =	strace s3  }
0x95: {  	s3 =	sld [smem:$0x3FFD];
	_ =	sdelay $0x3  }
0x96: {  	_ =	strace s3  }
0x97: {  	_ =	strace $0x8FFFFFFF  }
0x98: {  	s19 =	sld [smem:$0x3FDB];
	_ =	sdelay $0x1  }
0x99: {  	s4 =	simm.s32 $_scs_section_size  }
0x9a: {  	s5 =	simm.s32 $_size__tile_overlayer_lowered;
	s6 =	simm.s32 $_tile_overlayer_lowered  }
0x9b: {  	s22 =	simm.s32 $0x1BFF;
	s21 =	sshll.u32 s6, $0x1;
	s3 =	sadd.s32 s4, s19  }
0x9c: {  	s7 =	simm.s32 $0x0;
	s20 =	sshll.u32 s5, $0x1;
	s5 =	sadd.s32 s21, s3  }
0x9d: {  	[timem:s7], [sflag:s22] =	dma.local [hbm:s5], s20  }
0x9e: {  	_ =	swait.ge [sflag:s22], s20  }
0x9f: {  	s4 =	ssub.s32 $0x0, s20;
	[sflag:s22] =	ssyncset.done $0x0  }
0xa0: {  	[sflag:s22] =	ssyncadd.s32 s4;
	_ =	sdelay $0x1  }
0xa1: {  	s23 =	simm.s32 $0x1B8B  }
0xa2: {  	_ =	swait.ge [sflag:s23], $0x1  }
0xa3: {  	[sflag:s23] =	ssyncset.done $0x0  }
0xa4: {  	s25 =	simm.s32 $0x1B8E;
	s24 =	sld [smem:$0x3FFE];
	[sflag:s23] =	ssyncadd.s32 $0xFFFFFFFF  }
0xa5: {  	s26 =	simm.s32 $execute0_lowered;
	[smem:$0x3FD2] =	sst s25  }
0xa6: {  	s5 =	sshll.u32 s26, $0x1;
	_ =	strace $0x80000046;
	[dreg:$0x1] =	wrdreg $0xFFFFFFFF  }
0xa7: {  	s28 =	simm.s32 $_size_execute0_lowered;
	s3 =	sadd.s32 s3, s5;
	[dreg:$0x0] =	wrdreg $0x0  }
0xa8: {  	s5 =	sshll.u32 s28, $0x1;
	[dreg:$0x2] =	wrdreg s3  }
0xa9: {  	[dreg:$0x3] =	wrdreg s5  }
0xaa: {  	[dreg:$0x4] =	wrdreg $0xC0  }
0xab: {  	_ =	task [dreg:s7], $0x5FFFF  }
0xac: {  	[dreg:$0x1] =	wrdreg $0xFFFFFFFF  }
0xad: {  	[dreg:$0x0] =	wrdreg $0x60  }
0xae: {  	[dreg:$0x2] =	wrdreg s24  }
0xaf: {  	[dreg:$0x3] =	wrdreg s2  }
0xb0: {  	[dreg:$0x4] =	wrdreg $0x9  }
0xb1: {  	_ =	task.clear_ibuf [dreg:s7], $0x5FFFF;
	_ =	strace $0x90000046  }
0xb2: {  	s29 =	simm.s32 $0x9;
	_ =	strace $0x80000048  }
0xb3: {  	_ =	swait.ge [sflag:s29], $0x1  }
0xb4: {  	[sflag:s29] =	ssyncadd.s32 $0xFFFFFFFF  }
0xb5: {  	_ =	strace $0x90000048  }
0xb6: {  	_ =	sfence  }
0xb7: {  	s30 =	sld [smem:$0x0];
	_ =	sdelay $0x2  }
0xb8: {  	s31 =	sshll.u32 s1, $0xD;
	s1 =	sshrl.u32 s1, $0x2  }
0xb9: {  	s3 =	sand.u32 $0x4000, s31;
	s1 =	sadd.s32 s1, s30  }
0xba: {  	s0 =	sor.u32 s3, s0;
	s1 =	sshll.u32 s1, $0x11  }
0xbb: {  	s0 =	sor.u32 s1, s0  }
0xbc: {  	s0 =	sadd.s32 $0x8F2B, s0  }
0xbd: {  	[sflag:s0] =	ssyncadd.remote.s32 $0x1  }
0xbe: {  	_ =	sfence.sel $0xFFFF  }
0xbf: {  	[dreg:$0x0] =	wrdreg $0xFFFFFFFF;
	(pc) =	sbr.abs _section_cstart, $3  }
0xc0: {  	[dreg:$0x1] =	wrdreg $0xFFFFFFFF  }
0xc1: {  	_ =	task.clear_ibuf [dreg:s7], $0x2FFFF;
	_ =	strace $0x9FFFFFFF  }
0xc2: {  	(tm) =	ssettm $0x7FFFFFFF  }
0xc3: {  	_ =	shalt  }
tec
execute0_lowered:
.L_overlay_start_1:
0x0: {  	(tag) =	ssettag $0x1  }
0x1: {  	s0 =	rddreg [dreg:$0x0];
	s2 =	srdreg.scid  }
0x2: {  	s1 =	rddreg [dreg:$0x1];
	s3 =	stileid.u32;
	s2 =	sand.u32 $0x1, s2  }
0x3: {  	s5 =	simm.s32 $0x0;
	s3 =	sshll.u32 s3, $0xB;
	s4 =	sshll.u32 s2, $0xA  }
0x4: {  	[smem:$0x7FF] =	sst s5;
	s4 =	sor.u32 s4, s3  }
0x5: {  	v0 =	vimm.s32 $0xECA86420;
	_ =	strace $0x80000047;
	s3 =	sshrl.u32 s4, $0x3;
	[dreg:$0x6] =	wrdreg s4  }
0x6: {  	vm0 =	vcmask $0xB08;
	vm1 =	vcmask $0x1310;
	vm2 =	vcmask $0x1B18;
	s31 =	sshll.u32 s4, $0x3;
	s3 =	sadd.s32 s3, s0;
	s0 =	sadd.s32 $0xF43E00, s0  }
0x7: {  	vm4 =	vcmask $0x300;
	vm5 =	vcmask $0x2320;
	vm6 =	vcmask $0x2B28;
	s2 =	ssub.s32 $0x2, s2;
	s1 =	sadd.s32 s1, s31;
	[dreg:$0x7] =	wrdreg s0  }
0x8: {  	vm7 =	vcmask $0x3330;
	vm8 =	vcmask $0x3B38;
	v1 =	vlaneseq.u32;
	s29 =	sshrl.u32 s2, $0x1;
	s30 =	sadd.s32 $0xA00, s3;
	[dreg:$0xa] =	wrdreg s1  }
0x9: {  	vm3 =	vmmov $0xff;
	vm11 =	vcmask $0xF0C;
	v0 =	vunpack.c.l.s4.s8 v0;
	s0 =	ssub.s32 s2, s29;
	s3 =	sadd.s32 $0x1A00, s3;
	[dreg:$0x8] =	wrdreg s30  }
0xa: {  	vm12 =	vcmask $0x1714;
	vm13 =	vcmask $0x1F1C;
	vm14 =	vcmask $0x2724;
	[dreg:$0x9] =	wrdreg s3;
	s0 =	smax.u32 s0, $0x1  }
0xb: {  	vm15 =	vcmask $0x2F2C;
	v2 =	vmul.u32 $0x2, v1;
	v0 =	vunpack.c.0.s8.s32 v0;
	s1 =	simm.s32 $0x2;
	s2 =	simm.s32 $0x0;
	[dreg:$0xb] =	wrdreg s0  }
.LBB2_1:
0xc: {  	[dreg:$0xc] =	wrdreg s2  }
0xd: {  	s0 =	rddreg [dreg:$0x8]  }
0xe: {  	[tilespmem:s5], [sflag:$0x2] =	stream.linear.gather [hbm4b:s0+s5], $0x400, $0x38;
	[tilespmem:$0x10C00] =	vst v63  }
0xf: {  	_ =	swait.ge [sflag:s1], $0x400  }
0x10: {  	[sflag:s1] =	ssyncset.done $0x0  }
0x11: {  	s13 =	simm.s32 $0x400;
	s12 =	rddreg [dreg:$0x9];
	[sflag:s1] =	ssyncadd.s32 $0xFFFFFC00  }
0x12: {  	[tilespmem:s13], [sflag:$0x2] =	stream.linear.gather [hbm4b:s12+s5], $0x400, $0x38;
	[tilespmem:$0x10C00] =	vst v63  }
0x13: {  	_ =	swait.ge [sflag:s1], $0x400  }
0x14: {  	[sflag:s1] =	ssyncset.done $0x0  }
0x15: {  	s14 =	simm.s32 $0x0;
	[sflag:s1] =	ssyncadd.s32 $0xFFFFFC00  }
0x16: {  	v3 =	vld [tilespmem:s14+$0x0]  }
0x17: {  	v4 =	vld [tilespmem:s14+$0x400];
	_ =	sdelay $0x4  }
0x18: {  	v3 =	vmul.u32 $0x8DD9, v3;
	v4 =	vmul.u32 $0x6A37, v4;
	_ =	sdelay $0x1  }
0x19: {  	v3 =	vxor.u32 v3, v4  }
0x1a: {  	(v2sf) =	vpush v3, $0x3  }
0x1b: {  	(v2sf) =	vpush v3, $0x2;
	_ =	sdelay $0x1  }
0x1c: {  	(v2sf) =	vpush v3, $0xA;
	_ =	sdelay $0x2  }
0x1d: {  	(v2sf) =	vpush v3, $0x8  }
0x1e: {  	(v2sf) =	vpush v3, $0x0;
	_ =	sdelay $0x1  }
0x1f: {  	(v2sf) =	vpush v3, $0xC;
	_ =	sdelay $0x1  }
0x20: {  	(v2sf) =	vpush v3, $0xD  }
0x21: {  	(v2sf) =	vpush v3, $0x7;
	_ =	sdelay $0x1  }
0x22: {  	(v2sf) =	vpush v3, $0xE  }
0x23: {  	(v2sf) =	vpush v3, $0x9;
	s16 =	spop (v2sf)  }
0x24: {  	s17 =	spop (v2sf);
	s18 =	smulhi.u32 $0x431BE2E9, s16  }
0x25: {  	(v2sf) =	vpush v3, $0xF;
	s0 =	sshra.s32 s16, $0x1F;
	s8 =	smulhi.u32 $0x431BE2E9, s17  }
0x26: {  	s3 =	spop (v2sf);
	s16 =	smul.u32 $0x431BE2E9, s0  }
0x27: {  	s15 =	simm.s32 $0x0;
	s2 =	sshra.s32 s17, $0x1F;
	s19 =	smulhi.u32 $0x431BE2E9, s3  }
0x28: {  	[dreg:$0x3] =	wrdreg s15;
	s3 =	sshra.s32 s3, $0x1F;
	s2 =	smul.u32 $0x431BE2E9, s2  }
0x29: {  	s6 =	spop (v2sf);
	s3 =	smul.u32 $0x431BE2E9, s3  }
0x2a: {  	s7 =	spop (v2sf);
	s9 =	sshra.s32 s6, $0x1F;
	s6 =	smulhi.u32 $0x431BE2E9, s6  }
0x2b: {  	(v2sf) =	vpush v3, $0xB;
	s0 =	simm.s32 $0x10;
	[dreg:$0x4] =	wrdreg s18;
	s11 =	smulhi.u32 $0x431BE2E9, s7  }
0x2c: {  	s10 =	sshra.s32 s7, $0x1F;
	s20 =	spop (v2sf);
	s9 =	smul.u32 $0x431BE2E9, s9  }
0x2d: {  	(v2sf) =	vpush v3, $0x1;
	s3 =	sadd.s32 s3, s19;
	s12 =	sshra.s32 s20, $0x1F;
	s5 =	smulhi.u32 $0x431BE2E9, s20  }
0x2e: {  	s21 =	spop (v2sf);
	s20 =	simm.s32 $0x80;
	s10 =	smul.u32 $0x431BE2E9, s10  }
0x2f: {  	(v2sf) =	vpush v3, $0x6;
	s13 =	spop (v2sf);
	s19 =	smulhi.u32 $0x431BE2E9, s21;
	s31 =	sshra.s32 s21, $0x1F  }
0x30: {  	(v2sf) =	vpush v3, $0x4;
	s24 =	sadd.s32 s9, s6;
	s12 =	smul.u32 $0x431BE2E9, s12;
	s4 =	sshra.s32 s3, $0x12  }
0x31: {  	(v2sf) =	vpush v3, $0x5;
	s14 =	spop (v2sf);
	s23 =	sshra.s32 s13, $0x1F;
	s21 =	sshrl.u32 s24, $0x1F  }
0x32: {  	s26 =	sshra.s32 s24, $0x12;
	s22 =	spop (v2sf);
	s29 =	smulhi.u32 $0x431BE2E9, s14  }
0x33: {  	s15 =	sshra.s32 s14, $0x1F;
	s14 =	sadd.s32 s2, s8;
	s18 =	smulhi.u32 $0x431BE2E9, s22  }
0x34: {  	s12 =	sadd.s32 s12, s5;
	s25 =	spop (v2sf);
	s15 =	smul.u32 $0x431BE2E9, s15  }
0x35: {  	v10 =	vmov s26;
	s26 =	rddreg [dreg:$0x6];
	s17 =	sshra.s32 s22, $0x1F;
	s22 =	smulhi.u32 $0x431BE2E9, s25  }
0x36: {  	v4 =	vld [tilespmem:s0+$0x0];
	s6 =	sshra.s32 s25, $0x1F;
	s17 =	smul.u32 $0x431BE2E9, s17;
	s25 =	sadd.s32 s10, s11  }
0x37: {  	v5 =	vld [tilespmem:s0+$0x400];
	s10 =	sshrl.u32 s12, $0x1F;
	s6 =	smul.u32 $0x431BE2E9, s6;
	s29 =	sadd.s32 s15, s29  }
0x38: {  	s17 =	sadd.s32 s17, s18;
	s18 =	sshrl.u32 s3, $0x1F;
	s15 =	sshrl.u32 s29, $0x1F  }
0x39: {  	s3 =	sshra.s32 s12, $0x12;
	s12 =	sshra.s32 s29, $0x12;
	s22 =	sadd.s32 s6, s22  }
0x3a: {  	s29 =	sshrl.u32 s25, $0x1F;
	s30 =	spop (v2sf);
	s5 =	sshrl.u32 s22, $0x1F  }
0x3b: {  	s9 =	sshrl.u32 s17, $0x1F;
	[dreg:$0x5] =	wrdreg s5;
	s5 =	smulhi.u32 $0x431BE2E9, s30  }
0x3c: {  	v4 =	vmul.u32 $0x8DD9, v4;
	v5 =	vmul.u32 $0x6A37, v5;
	s7 =	sshra.s32 s30, $0x1F;
	s1 =	spop (v2sf);
	s30 =	smul.u32 $0x431BE2E9, s31  }
0x3d: {  	v6 =	vmov s21;
	s21 =	sshra.s32 s17, $0x12;
	s24 =	smulhi.u32 $0x431BE2E9, s1;
	s2 =	sshra.s32 s1, $0x1F  }
0x3e: {  	vm10 =	vcmask $0x704;
	v5 =	vxor.u32 v4, v5;
	v4 =	vor.u32 s26, v1;
	s17 =	sadd.s32 $0x10, s26;
	s6 =	spop (v2sf);
	s2 =	smul.u32 $0x431BE2E9, s2  }
0x3f: {  	s26 =	sshra.s32 s14, $0x12;
	v9 =	vsel vm0, s9, v6;
	(v2sf) =	vpush v5, $0x3;
	v6 =	vsel vm0, s21, v10;
	s21 =	smul.u32 $0x431BE2E9, s7;
	s8 =	spop (v2sf)  }
0x40: {  	v4 =	vand.u32 $0x1FFF, v4;
	v8 =	vmov s10;
	(v2sf) =	vpush v5, $0x2;
	s28 =	smulhi.u32 $0x431BE2E9, s8;
	s9 =	spop (v2sf);
	s24 =	sadd.s32 s2, s24  }
0x41: {  	v7 =	vmov s3;
	v11 =	vmov s29;
	(v2sf) =	vpush v5, $0xA;
	s2 =	sshra.s32 s8, $0x1F;
	s11 =	sshra.s32 s9, $0x1F;
	s8 =	smulhi.u32 $0x431BE2E9, s13  }
0x42: {  	v10 =	vsel vm1, s4, v6;
	v6 =	vor.u32 s17, v1;
	(v2sf) =	vpush v5, $0x8;
	s3 =	smul.u32 $0x431BE2E9, s11;
	s11 =	sshra.s32 s6, $0x1F;
	s13 =	sshrl.u32 s24, $0x1F  }
.LBB2_2:
0x43: {  	s23 =	smul.u32 $0x431BE2E9, s23  }
0x44: {  	s7 =	sshrl.u32 s14, $0x1F;
	s9 =	smulhi.u32 $0x431BE2E9, s9  }
0x45: {  	s2 =	smul.u32 $0x431BE2E9, s2;
	v9 =	vsel vm1, s18, v9;
	s18 =	sshra.s32 s25, $0x12;
	s1 =	rddreg [dreg:$0x4]  }
0x46: {  	s31 =	smul.u32 $0x431BE2E9, s11;
	p0 =	sne.s32 s20, $0xFC0;
	s17 =	sadd.s32 $0x10, s17  }
0x47: {  	v11 =	vnsel vm4, $0x0, v11;
	s4 =	sadd.s32 s21, s5;
	s5 =	smov.u32 s20;
	s21 =	smov.u32 s0  }
0x48: {  	(v2sf) =	vpush v5, $0x0;
	s19 =	sadd.s32 s30, s19;
	v11 =	vsel vm0, s13, v11;
	s13 =	smulhi.u32 $0x431BE2E9, s6;
	s6 =	sadd.s32 s23, s8  }
0x49: {  	s0 =	sshra.s32 s22, $0x12;
	s22 =	sshra.s32 s24, $0x12;
	s8 =	sshra.s32 s6, $0x1F  }
0x4a: {  	(v2sf) =	vpush v5, $0xC;
	s1 =	sadd.s32 s16, s1;
	s16 =	sshra.s32 s24, $0x1F;
	s24 =	sshra.s32 s14, $0x1F;
	v12 =	vmov s8  }
0x4b: {  	s29 =	sshra.s32 s4, $0x12;
	(v2sf) =	vpush v5, $0xD;
	s4 =	sshrl.u32 s4, $0x1F;
	s23 =	sshra.s32 s25, $0x1F;
	v12 =	vsel vm4, s18, v12  }
0x4c: {  	s3 =	sadd.s32 s3, s9;
	s2 =	sadd.s32 s2, s28;
	s25 =	sshrl.u32 s19, $0x1F;
	v11 =	vsel vm1, s7, v11;
	(v2sf) =	vpush v5, $0x7;
	v12 =	vsel vm10, s23, v12  }
0x4d: {  	s10 =	sshra.s32 s19, $0x12;
	v10 =	vsel vm2, s29, v10;
	s29 =	sshrl.u32 s1, $0x1F;
	s7 =	sshrl.u32 s2, $0x1F;
	v8 =	vsel vm0, s25, v8;
	v12 =	vsel vm0, s22, v12  }
0x4e: {  	s19 =	sadd.s32 s31, s13;
	s25 =	sshrl.u32 s6, $0x1F;
	v7 =	vsel vm0, s10, v7;
	s10 =	sshra.s32 s3, $0x12;
	(v2sf) =	vpush v5, $0xE;
	v12 =	vsel vm11, s16, v12  }
0x4f: {  	v11 =	vsel vm2, s29, v11;
	(v2sf) =	vpush v5, $0x9;
	s18 =	sshrl.u32 s3, $0x1F;
	s23 =	sshrl.u32 s19, $0x1F;
	v12 =	vsel vm1, s26, v12;
	s29 =	spop (v2sf)  }
0x50: {  	v8 =	vsel vm1, s15, v8;
	s22 =	sshra.s32 s1, $0x12;
	s1 =	sshra.s32 s1, $0x1F;
	v12 =	vsel vm12, s24, v12;
	s31 =	spop (v2sf)  }
0x51: {  	v11 =	vsel vm5, s7, v11;
	(v2sf) =	vpush v5, $0xF;
	s26 =	sshra.s32 s2, $0x12;
	v12 =	vsel vm2, s22, v12;
	s15 =	smulhi.u32 $0x431BE2E9, s29;
	s16 =	spop (v2sf)  }
0x52: {  	v11 =	vsel vm6, s18, v11;
	s2 =	sshra.s32 s2, $0x1F;
	v12 =	vsel vm13, s1, v12;
	s14 =	sshra.s32 s29, $0x1F;
	s18 =	smulhi.u32 $0x431BE2E9, s16  }
0x53: {  	v9 =	vsel vm2, s4, v9;
	v11 =	vsel vm7, s23, v11;
	s22 =	rddreg [dreg:$0x5];
	v12 =	vsel vm5, s26, v12;
	s9 =	sshra.s32 s16, $0x1F;
	s16 =	smul.u32 $0x431BE2E9, s14  }
0x54: {  	s6 =	sshra.s32 s6, $0x12;
	s13 =	sshra.s32 s19, $0x12;
	(v2sf) =	vpush v5, $0xB;
	v8 =	vsel vm2, s22, v8;
	v12 =	vsel vm14, s2, v12;
	s23 =	smul.u32 $0x431BE2E9, s9  }
0x55: {  	s4 =	sshra.s32 s19, $0x1F;
	v8 =	vcombine.low v9, v8;
	s19 =	spop (v2sf);
	v9 =	vsel vm6, s10, v12;
	s10 =	smulhi.u32 $0x431BE2E9, s31  }
0x56: {  	(v2sf) =	vpush v5, $0x1;
	[dreg:$0x4] =	wrdreg s15;
	s15 =	sshra.s32 s31, $0x1F;
	s1 =	smulhi.u32 $0x431BE2E9, s19  }
0x57: {  	s3 =	sshra.s32 s3, $0x1F;
	v11 =	vsel vm8, s25, v11;
	s25 =	spop (v2sf);
	s15 =	smul.u32 $0x431BE2E9, s15  }
0x58: {  	v7 =	vsel vm1, s12, v7;
	s7 =	sadd.s32 $0x40, s20;
	s26 =	sshra.s32 s19, $0x1F;
	v9 =	vsel vm15, s3, v9;
	s3 =	smulhi.u32 $0x431BE2E9, s25  }
0x59: {  	vm9 =	vcmask $0x3734;
	v7 =	vsel vm2, s0, v7;
	s29 =	spop (v2sf);
	s9 =	sadd.s32 s23, s18;
	s18 =	smul.u32 $0x431BE2E9, s26  }
0x5a: {  	v7 =	vcombine.low v10, v7;
	(v2sf) =	vpush v5, $0x6;
	s24 =	sshra.s32 s25, $0x1F;
	v9 =	vsel vm7, s13, v9;
	s31 =	spop (v2sf);
	s11 =	smulhi.u32 $0x431BE2E9, s29  }
0x5b: {  	s0 =	sshra.s32 s5, $0x2;
	s24 =	smul.u32 $0x431BE2E9, s24;
	v9 =	vsel vm9, s4, v9;
	s8 =	spop (v2sf)  }
0x5c: {  	v7 =	vperm.xlane v7, v0;
	v10 =	vperm.xlane v11, v2;
	s2 =	sshra.s32 s29, $0x1F;
	s19 =	smulhi.u32 $0x431BE2E9, s31;
	v9 =	vsel vm8, s6, v9;
	s23 =	sshra.s32 s8, $0x1F  }
0x5d: {  	v8 =	vperm.xlane v8, v0;
	(v2sf) =	vpush v5, $0x4;
	s20 =	spop (v2sf);
	s4 =	sadd.s32 s18, s1;
	s8 =	smulhi.u32 $0x431BE2E9, s8;
	v9 =	vperm.xlane v9, v2  }
0x5e: {  	(v2sf) =	vpush v5, $0x5;
	s25 =	spop (v2sf);
	s26 =	sshrl.u32 s4, $0x1F;
	s28 =	smulhi.u32 $0x431BE2E9, s20  }
0x5f: {  	v8 =	vsel vm3, v10, v8;
	s4 =	sshra.s32 s4, $0x12;
	s22 =	sshra.s32 s25, $0x1F;
	s25 =	smulhi.u32 $0x431BE2E9, s25;
	v7 =	vsel vm3, v9, v7  }
0x60: {  	s13 =	sshra.s32 s31, $0x1F;
	s31 =	spop (v2sf);
	v10 =	vmov s4;
	s4 =	smul.u32 $0x431BE2E9, s2;
	v7 =	vadd.s32 v8, v7  }
0x61: {  	s14 =	sadd.s32 s15, s10;
	s15 =	rddreg [dreg:$0x3];
	s30 =	smulhi.u32 $0x431BE2E9, s31;
	v7 =	vmul.u32 $0xF423F, v7  }
0x62: {  	s18 =	sshrl.u32 s9, $0x1F;
	s1 =	sshra.s32 s31, $0x1F;
	s5 =	smul.u32 $0x431BE2E9, s22  }
0x63: {  	s12 =	sshra.s32 s20, $0x1F;
	s29 =	spop (v2sf);
	s22 =	smul.u32 $0x431BE2E9, s1;
	v7 =	vsub.s32 v3, v7  }
0x64: {  	v6 =	vand.u32 $0x1FFF, v6;
	s12 =	smul.u32 $0x431BE2E9, s12;
	s20 =	sshra.s32 s29, $0x1F;
	v8 =	vld [tilespmem:s0+$0x400];
	s4 =	sadd.s32 s4, s11;
	v3 =	vmovc v5;
	vm9 =	vlt.s32 v7, $0x0;
	v5 =	vadd.s32 $0xF423F, v7  }
0x65: {  	s25 =	sadd.s32 s5, s25;
	s22 =	sadd.s32 s22, s30;
	s31 =	spop (v2sf);
	v5 =	vsel vm9, v5, v7;
	vm9 =	veq.s32 v4, $0x0;
	v4 =	vmov v6;
	v6 =	vld [tilespmem:s0+$0x0]  }
0x66: {  	s10 =	sshrl.u32 s25, $0x1F;
	s5 =	sshrl.u32 s22, $0x1F;
	s1 =	sshra.s32 s31, $0x1F  }
0x67: {  	s30 =	smulhi.u32 $0x431BE2E9, s31;
	[dreg:$0x5] =	wrdreg s5;
	s31 =	sadd.s32 s12, s28  }
0x68: {  	s5 =	smulhi.u32 $0x431BE2E9, s29;
	s29 =	sshrl.u32 s4, $0x1F;
	s4 =	sshra.s32 s4, $0x12  }
0x69: {  	s6 =	spop (v2sf);
	v7 =	vmov s26;
	s26 =	sshra.s32 s9, $0x12;
	s1 =	smul.u32 $0x431BE2E9, s1;
	v5 =	vsel vm9, $0xF423F, v5  }
0x6a: {  	s12 =	sshra.s32 s31, $0x12;
	v9 =	vsel vm0, s10, v7;
	s11 =	sshra.s32 s6, $0x1F;
	s10 =	sshra.s32 s25, $0x12;
	[tilespmem:s15+$0x800] =	vst v5;
	v5 =	vmul.u32 $0x8DD9, v6;
	v6 =	vmul.u32 $0x6A37, v8  }
0x6b: {  	s25 =	smov.u32 s21;
	s21 =	smul.u32 $0x431BE2E9, s20;
	s20 =	smov.u32 s7  }
.Ltmp0:
0x6c: {  	s15 =	sshrl.u32 s31, $0x1F;
	s9 =	spop (v2sf);
	v5 =	vxor.u32 v5, v6;
	(pc) =	sbr.rel @p0 .LBB2_2-.Ltmp0, $4  }
0x6d: {  	s2 =	sshra.s32 s9, $0x1F;
	s28 =	smulhi.u32 $0x431BE2E9, s9;
	s9 =	spop (v2sf);
	(v2sf) =	vpush v5, $0x3  }
0x6e: {  	v7 =	vmov s4;
	[dreg:$0x3] =	wrdreg s25;
	s25 =	sadd.s32 s24, s3;
	v10 =	vsel vm0, s10, v10;
	s31 =	sshra.s32 s9, $0x1F;
	(v2sf) =	vpush v5, $0x2  }
0x6f: {  	s24 =	sadd.s32 s1, s30;
	v10 =	vsel vm1, s26, v10;
	v8 =	vmov s29;
	s3 =	smul.u32 $0x431BE2E9, s31;
	s31 =	sshrl.u32 s25, $0x1F;
	(v2sf) =	vpush v5, $0xA  }
0x70: {  	s30 =	smul.u32 $0x431BE2E9, s13;
	s13 =	sshrl.u32 s24, $0x1F;
	s26 =	sshra.s32 s14, $0x12;
	v6 =	vor.u32 s17, v1;
	v11 =	vmov s31;
	(v2sf) =	vpush v5, $0x8  }
0x71: {  	(v2sf) =	vpush v5, $0x0;
	_ =	sdelay $0x1  }
0x72: {  	(v2sf) =	vpush v5, $0xC;
	_ =	sdelay $0x1  }
0x73: {  	(v2sf) =	vpush v5, $0xD  }
0x74: {  	(v2sf) =	vpush v5, $0x7  }
0x75: {  	(v2sf) =	vpush v5, $0xE  }
0x76: {  	s1 =	smul.u32 $0x431BE2E9, s23;
	(v2sf) =	vpush v5, $0x9  }
0x77: {  	s31 =	smulhi.u32 $0x431BE2E9, s9  }
0x78: {  	s4 =	smul.u32 $0x431BE2E9, s2;
	(v2sf) =	vpush v5, $0xF  }
0x79: {  	s7 =	smul.u32 $0x431BE2E9, s11;
	[dreg:$0x17] =	wrdreg s1  }
0x7a: {  	[dreg:$0x13] =	wrdreg s31;
	s29 =	spop (v2sf)  }
0x7b: {  	[dreg:$0x10] =	wrdreg s29;
	s9 =	spop (v2sf)  }
0x7c: {  	s10 =	spop (v2sf);
	s20 =	smulhi.u32 $0x431BE2E9, s9  }
0x7d: {  	s17 =	spop (v2sf);
	s2 =	smulhi.u32 $0x431BE2E9, s10;
	s10 =	sshra.s32 s10, $0x1F  }
0x7e: {  	s23 =	spop (v2sf);
	s10 =	smul.u32 $0x431BE2E9, s10  }
0x7f: {  	s11 =	smulhi.u32 $0x431BE2E9, s17;
	[dreg:$0x16] =	wrdreg s20  }
0x80: {  	s17 =	sshra.s32 s17, $0x1F;
	[dreg:$0x12] =	wrdreg s2;
	s29 =	spop (v2sf)  }
0x81: {  	s2 =	smul.u32 $0x431BE2E9, s17;
	[dreg:$0x15] =	wrdreg s10  }
0x82: {  	s9 =	sshra.s32 s9, $0x1F;
	s31 =	spop (v2sf);
	[dreg:$0x14] =	wrdreg s11  }
0x83: {  	(v2sf) =	vpush v5, $0xB;
	s11 =	smul.u32 $0x431BE2E9, s9;
	s10 =	spop (v2sf)  }
0x84: {  	(v2sf) =	vpush v5, $0x1;
	[dreg:$0x19] =	wrdreg s2;
	s1 =	spop (v2sf)  }
0x85: {  	s4 =	sadd.s32 s4, s28;
	s28 =	rddreg [dreg:$0x15];
	s17 =	spop (v2sf)  }
0x86: {  	[dreg:$0x1b] =	wrdreg s11;
	s20 =	sshra.s32 s17, $0x1F;
	s9 =	smulhi.u32 $0x431BE2E9, s17  }
0x87: {  	s11 =	spop (v2sf);
	s2 =	smul.u32 $0x431BE2E9, s20  }
0x88: {  	s17 =	smulhi.u32 $0x431BE2E9, s11;
	[dreg:$0x1a] =	wrdreg s9  }
0x89: {  	s20 =	smulhi.u32 $0x431BE2E9, s1;
	[dreg:$0x1c] =	wrdreg s2  }
0x8a: {  	s1 =	sshra.s32 s1, $0x1F;
	s9 =	sshra.s32 s11, $0x1F;
	[dreg:$0x1e] =	wrdreg s17  }
0x8b: {  	s11 =	sshra.s32 s23, $0x1F;
	[dreg:$0x1d] =	wrdreg s20;
	s17 =	smul.u32 $0x431BE2E9, s9  }
0x8c: {  	(v2sf) =	vpush v5, $0x6;
	s9 =	sadd.s32 s21, s5;
	s21 =	smulhi.u32 $0x431BE2E9, s29;
	s2 =	rddreg [dreg:$0x17]  }
0x8d: {  	s5 =	sshra.s32 s29, $0x1F;
	s29 =	smulhi.u32 $0x431BE2E9, s23;
	s23 =	rddreg [dreg:$0x13]  }
0x8e: {  	s20 =	smul.u32 $0x431BE2E9, s1;
	s1 =	sadd.s32 s2, s8;
	s8 =	rddreg [dreg:$0x4]  }
0x8f: {  	s23 =	sadd.s32 s3, s23;
	s3 =	rddreg [dreg:$0x16]  }
0x90: {  	s6 =	smulhi.u32 $0x431BE2E9, s6;
	[dreg:$0x1f] =	wrdreg s21  }
0x91: {  	s30 =	sadd.s32 s30, s19;
	s19 =	smul.u32 $0x431BE2E9, s5;
	[dreg:$0x18] =	wrdreg s1  }
0x92: {  	s21 =	rddreg [dreg:$0x12];
	s1 =	spop (v2sf)  }
0x93: {  	s2 =	sadd.s32 s16, s8;
	s28 =	sadd.s32 s28, s21;
	s5 =	spop (v2sf)  }
0x94: {  	s21 =	rddreg [dreg:$0x19];
	s8 =	smulhi.u32 $0x431BE2E9, s5;
	s16 =	sshra.s32 s5, $0x1F  }
0x95: {  	s5 =	smul.u32 $0x431BE2E9, s16;
	s16 =	rddreg [dreg:$0x14]  }
0x96: {  	s6 =	sadd.s32 s7, s6;
	s21 =	sadd.s32 s21, s16;
	s16 =	rddreg [dreg:$0x1b]  }
0x97: {  	s11 =	smul.u32 $0x431BE2E9, s11;
	s3 =	sadd.s32 s16, s3;
	s16 =	rddreg [dreg:$0x1e]  }
0x98: {  	(v2sf) =	vpush v5, $0x4;
	s7 =	smulhi.u32 $0x431BE2E9, s1;
	s1 =	sshra.s32 s1, $0x1F;
	[dreg:$0xf] =	wrdreg s3  }
0x99: {  	s3 =	smul.u32 $0x431BE2E9, s1;
	s1 =	sadd.s32 s17, s16;
	s16 =	rddreg [dreg:$0x1a]  }
0x9a: {  	s22 =	sshra.s32 s22, $0x12;
	v11 =	vnsel vm4, $0x0, v11;
	s29 =	sadd.s32 s11, s29;
	s17 =	rddreg [dreg:$0x1c]  }
0x9b: {  	v11 =	vsel vm0, s13, v11;
	s13 =	spop (v2sf);
	[dreg:$0xd] =	wrdreg s1;
	s16 =	sadd.s32 s17, s16  }
0x9c: {  	s17 =	smulhi.u32 $0x431BE2E9, s31;
	s1 =	rddreg [dreg:$0x1d];
	s31 =	sshra.s32 s31, $0x1F  }
0x9d: {  	s1 =	sadd.s32 s20, s1;
	s20 =	rddreg [dreg:$0x1f];
	s31 =	smul.u32 $0x431BE2E9, s31  }
0x9e: {  	[dreg:$0xe] =	wrdreg s1;
	s1 =	smulhi.u32 $0x431BE2E9, s10;
	s20 =	sadd.s32 s19, s20  }
0x9f: {  	(v2sf) =	vpush v5, $0x5;
	s10 =	sshra.s32 s10, $0x1F;
	s19 =	sadd.s32 s5, s8;
	s8 =	rddreg [dreg:$0x18]  }
0xa0: {  	s5 =	sshra.s32 s30, $0x12;
	s11 =	smul.u32 $0x431BE2E9, s10;
	s10 =	sadd.s32 s3, s7  }
0xa1: {  	s17 =	sadd.s32 s31, s17;
	s31 =	sshra.s32 s8, $0x1F;
	s7 =	sshra.s32 s25, $0x12  }
0xa2: {  	s3 =	sshrl.u32 s9, $0x1F;
	v7 =	vsel vm0, s5, v7;
	s5 =	sshra.s32 s16, $0x12;
	[dreg:$0x11] =	wrdreg s17  }
0xa3: {  	v12 =	vmov s31;
	s17 =	sshra.s32 s24, $0x12;
	s31 =	sshra.s32 s2, $0x12;
	s11 =	sadd.s32 s11, s1  }
0xa4: {  	v12 =	vsel vm4, s7, v12;
	s1 =	sshra.s32 s9, $0x12;
	s9 =	sshra.s32 s25, $0x1F;
	s7 =	sshrl.u32 s30, $0x1F  }
0xa5: {  	v7 =	vsel vm1, s12, v7;
	s25 =	sshra.s32 s24, $0x1F;
	s30 =	sshra.s32 s14, $0x1F;
	s24 =	sshrl.u32 s23, $0x1F  }
0xa6: {  	v9 =	vsel vm1, s18, v9;
	v7 =	vsel vm2, s22, v7;
	s22 =	sshra.s32 s29, $0x1F;
	v12 =	vsel vm10, s9, v12;
	s9 =	sshrl.u32 s2, $0x1F;
	s2 =	sshra.s32 s2, $0x1F  }
0xa7: {  	v10 =	vsel vm2, s1, v10;
	s1 =	sshra.s32 s8, $0x12;
	v8 =	vsel vm0, s7, v8;
	v12 =	vsel vm0, s17, v12;
	s17 =	sshrl.u32 s14, $0x1F;
	s18 =	spop (v2sf)  }
0xa8: {  	s14 =	sshrl.u32 s6, $0x1F;
	v8 =	vsel vm1, s15, v8;
	v12 =	vsel vm11, s25, v12;
	s25 =	sshrl.u32 s4, $0x1F;
	v11 =	vsel vm1, s17, v11;
	s15 =	smulhi.u32 $0x431BE2E9, s18  }
0xa9: {  	v12 =	vsel vm1, s26, v12;
	s26 =	sshra.s32 s4, $0x12;
	s4 =	sshra.s32 s4, $0x1F;
	v11 =	vsel vm2, s9, v11;
	s9 =	sshrl.u32 s8, $0x1F  }
0xaa: {  	s8 =	sshrl.u32 s21, $0x1F;
	s21 =	sshra.s32 s21, $0x12;
	v12 =	vsel vm12, s30, v12;
	s30 =	sshra.s32 s6, $0x12  }
0xab: {  	s6 =	sshra.s32 s6, $0x1F;
	v11 =	vsel vm5, s25, v11;
	v14 =	vmov s21;
	s21 =	sshrl.u32 s19, $0x1F;
	v12 =	vsel vm2, s31, v12;
	s31 =	sshra.s32 s23, $0x12  }
0xac: {  	v7 =	vcombine.low v10, v7;
	v11 =	vsel vm6, s24, v11;
	s24 =	sshra.s32 s18, $0x1F;
	v12 =	vsel vm13, s2, v12;
	s2 =	sshra.s32 s23, $0x1F;
	s23 =	rddreg [dreg:$0x10]  }
0xad: {  	vm9 =	vcmask $0x3734;
	s18 =	sshrl.u32 s29, $0x1F;
	s17 =	smulhi.u32 $0x431BE2E9, s23;
	v12 =	vsel vm5, s26, v12;
	s26 =	sshra.s32 s23, $0x1F  }
0xae: {  	v9 =	vsel vm2, s3, v9;
	v7 =	vperm.xlane v7, v0;
	v11 =	vsel vm7, s14, v11;
	s14 =	sshrl.u32 s28, $0x1F;
	s23 =	spop (v2sf);
	s3 =	smul.u32 $0x431BE2E9, s26  }
0xaf: {  	v13 =	vmov s8;
	v18 =	vmov s18;
	v11 =	vsel vm8, s9, v11;
	s9 =	sshra.s32 s11, $0x1F;
	s26 =	sshra.s32 s23, $0x1F;
	s25 =	smulhi.u32 $0x431BE2E9, s23  }
0xb0: {  	v14 =	vsel vm0, s5, v14;
	v18 =	vnsel vm4, $0x0, v18;
	v12 =	vsel vm14, s4, v12;
	s23 =	rddreg [dreg:$0xf];
	s4 =	smul.u32 $0x431BE2E9, s26;
	s26 =	sshrl.u32 s20, $0x1F  }
0xb1: {  	v15 =	vmov s9;
	v18 =	vsel vm0, s21, v18;
	v12 =	vsel vm6, s31, v12;
	s31 =	sshrl.u32 s16, $0x1F;
	s16 =	smul.u32 $0x431BE2E9, s24;
	s24 =	sshra.s32 s23, $0x12  }
0xb2: {  	v11 =	vperm.xlane v11, v2;
	v12 =	vsel vm15, s2, v12;
	s2 =	sshra.s32 s28, $0x12;
	v13 =	vsel vm0, s31, v13;
	s3 =	sadd.s32 s3, s17;
	s17 =	sshra.s32 s29, $0x12  }
0xb3: {  	s28 =	rddreg [dreg:$0x5];
	v16 =	vmov s26;
	s26 =	sshrl.u32 s23, $0x1F;
	s29 =	sshra.s32 s19, $0x1F;
	v12 =	vsel vm7, s30, v12;
	v15 =	vsel vm4, s17, v15  }
0xb4: {  	s31 =	sshrl.u32 s10, $0x1F;
	v8 =	vsel vm2, s28, v8;
	s7 =	sadd.s32 s4, s25;
	s25 =	sshra.s32 s19, $0x12;
	v14 =	vsel vm1, s2, v14;
	v15 =	vsel vm10, s22, v15  }
0xb5: {  	s30 =	sshra.s32 s20, $0x12;
	s20 =	sshra.s32 s13, $0x1F;
	s28 =	smulhi.u32 $0x431BE2E9, s13;
	v13 =	vsel vm1, s14, v13;
	v18 =	vsel vm1, s26, v18;
	v15 =	vsel vm0, s25, v15  }
0xb6: {  	s13 =	rddreg [dreg:$0x11];
	s19 =	sshra.s32 s3, $0x12;
	v12 =	vsel vm9, s6, v12;
	v17 =	vmov s30;
	s30 =	sshra.s32 s10, $0x12;
	v15 =	vsel vm11, s29, v15  }
0xb7: {  	s5 =	smul.u32 $0x431BE2E9, s20;
	v13 =	vsel vm2, s31, v13;
	v12 =	vsel vm8, s1, v12;
	s1 =	sadd.s32 s16, s15;
	s16 =	sshra.s32 s23, $0x1F;
	v15 =	vsel vm1, s24, v15  }
0xb8: {  	s14 =	sshrl.u32 s13, $0x1F;
	s20 =	rddreg [dreg:$0xe];
	v8 =	vcombine.low v9, v8;
	s15 =	sshrl.u32 s3, $0x1F;
	v14 =	vsel vm2, s30, v14;
	v15 =	vsel vm12, s16, v15  }
0xb9: {  	v16 =	vsel vm0, s14, v16;
	s21 =	sshrl.u32 s20, $0x1F;
	s3 =	sshra.s32 s3, $0x1F;
	s23 =	sshra.s32 s13, $0x12;
	v18 =	vsel vm2, s15, v18;
	v15 =	vsel vm2, s19, v15  }
0xba: {  	s26 =	sshra.s32 s20, $0x12;
	v16 =	vsel vm1, s21, v16;
	s25 =	sshra.s32 s1, $0x12;
	v17 =	vsel vm0, s23, v17;
	v15 =	vsel vm13, s3, v15  }
0xbb: {  	s18 =	sshrl.u32 s1, $0x1F;
	s1 =	sshra.s32 s1, $0x1F;
	s29 =	rddreg [dreg:$0xd];
	v8 =	vperm.xlane v8, v0;
	v12 =	vperm.xlane v12, v2;
	v15 =	vsel vm5, s25, v15  }
0xbc: {  	s22 =	sshrl.u32 s7, $0x1F;
	s31 =	sshra.s32 s7, $0x12;
	v18 =	vsel vm5, s18, v18;
	v17 =	vsel vm1, s26, v17;
	s3 =	sshra.s32 s29, $0x12;
	v15 =	vsel vm14, s1, v15  }
0xbd: {  	s17 =	sadd.s32 s5, s28;
	s30 =	sshrl.u32 s29, $0x1F;
	v18 =	vsel vm6, s22, v18;
	v17 =	vsel vm2, s3, v17;
	s3 =	sshra.s32 s7, $0x1F;
	v15 =	vsel vm6, s31, v15  }
0xbe: {  	s24 =	sshrl.u32 s17, $0x1F;
	s5 =	sshra.s32 s17, $0x12;
	v16 =	vsel vm2, s30, v16;
	v8 =	vsel vm3, v11, v8;
	v54 =	vsel vm15, s3, v15  }
0xbf: {  	s28 =	sshrl.u32 s11, $0x1F;
	s6 =	sshra.s32 s17, $0x1F;
	v18 =	vsel vm7, s24, v18;
	v55 =	vcombine.low v13, v16;
	v9 =	vsel vm7, s5, v54  }
0xc0: {  	v18 =	vsel vm8, s28, v18;
	s7 =	sshra.s32 s11, $0x12;
	v56 =	vcombine.low v14, v17;
	v9 =	vsel vm9, s6, v9  }
0xc1: {  	v10 =	vperm.xlane v55, v0;
	v58 =	vperm.xlane v18, v2;
	v9 =	vsel vm8, s7, v9  }
0xc2: {  	v7 =	vsel vm3, v12, v7;
	v57 =	vperm.xlane v56, v0;
	v9 =	vperm.xlane v9, v2  }
0xc3: {  	v7 =	vadd.s32 v8, v7  }
0xc4: {  	v7 =	vmul.u32 $0xF423F, v7;
	v59 =	vsel vm3, v58, v10;
	v9 =	vsel vm3, v9, v57  }
0xc5: {  	v8 =	vadd.s32 v59, v9  }
0xc6: {  	v3 =	vsub.s32 v3, v7;
	v60 =	vmul.u32 $0xF423F, v8  }
0xc7: {  	v61 =	vadd.s32 $0xF423F, v3;
	vm9 =	vlt.s32 v3, $0x0  }
0xc8: {  	v6 =	vand.u32 $0x1FFF, v6;
	v3 =	vsel vm9, v61, v3;
	v62 =	vsub.s32 v5, v60  }
0xc9: {  	vm9 =	veq.s32 v4, $0x0;
	vm10 =	vlt.s32 v62, $0x0;
	v63 =	vadd.s32 $0xF423F, v62  }
0xca: {  	s8 =	rddreg [dreg:$0x3];
	v3 =	vsel vm9, $0xF423F, v3;
	vm9 =	veq.s32 v6, $0x0;
	v4 =	vsel vm10, v63, v62  }
0xcb: {  	s12 =	simm.s32 $0xC00;
	[tilespmem:s8+$0x800] =	vst v3;
	v3 =	vsel vm9, $0xF423F, v4  }
0xcc: {  	s9 =	rddreg [dreg:$0x7];
	s10 =	simm.s32 $0x80;
	s11 =	simm.s32 $0x800;
	[tilespmem:s0+$0x800] =	vst v3  }
0xcd: {  	[tilespmem:s12], [sflag:$0x1] =	stream.indirect.gather [hbm4b:s9+s10], $0x40, s11, s10, $0xb8;
	[tilespmem:$0x10C00] =	vst v63  }
0xce: {  	s13 =	simm.s32 $0x880;
	s14 =	simm.s32 $0x2C00  }
0xcf: {  	[tilespmem:s14], [sflag:$0x1] =	stream.indirect.gather [hbm4b:s9+s10], $0x40, s13, s10, $0xb8;
	[tilespmem:$0x10C00] =	vst v63  }
0xd0: {  	s15 =	simm.s32 $0x900;
	s16 =	simm.s32 $0x4C00  }
0xd1: {  	[tilespmem:s16], [sflag:$0x1] =	stream.indirect.gather [hbm4b:s9+s10], $0x40, s15, s10, $0xb8;
	[tilespmem:$0x10C00] =	vst v63  }
0xd2: {  	s17 =	simm.s32 $0x980;
	s18 =	simm.s32 $0x6C00  }
0xd3: {  	[tilespmem:s18], [sflag:$0x1] =	stream.indirect.gather [hbm4b:s9+s10], $0x40, s17, s10, $0xb8;
	[tilespmem:$0x10C00] =	vst v63  }
0xd4: {  	s20 =	simm.s32 $0x8C00;
	s19 =	simm.s32 $0xA00  }
0xd5: {  	[tilespmem:s20], [sflag:$0x1] =	stream.indirect.gather [hbm4b:s9+s10], $0x40, s19, s10, $0xb8;
	[tilespmem:$0x10C00] =	vst v63  }
0xd6: {  	s21 =	simm.s32 $0xA80;
	s22 =	simm.s32 $0xAC00  }
0xd7: {  	[tilespmem:s22], [sflag:$0x1] =	stream.indirect.gather [hbm4b:s9+s10], $0x40, s21, s10, $0xb8;
	[tilespmem:$0x10C00] =	vst v63  }
0xd8: {  	s23 =	simm.s32 $0xB00;
	s24 =	simm.s32 $0xCC00  }
0xd9: {  	[tilespmem:s24], [sflag:$0x1] =	stream.indirect.gather [hbm4b:s9+s10], $0x40, s23, s10, $0xb8;
	[tilespmem:$0x10C00] =	vst v63  }
0xda: {  	s26 =	simm.s32 $0xEC00;
	s28 =	simm.s32 $0x1;
	s25 =	simm.s32 $0xB80  }
0xdb: {  	[tilespmem:s26], [sflag:$0x1] =	stream.indirect.gather [hbm4b:s9+s10], $0x40, s25, s10, $0xb8;
	[tilespmem:$0x10C00] =	vst v63  }
0xdc: {  	_ =	swait.ge [sflag:s28], $0x2000  }
0xdd: {  	[sflag:s28] =	ssyncset.done $0x0  }
0xde: {  	[sflag:s28] =	ssyncadd.s32 $0xFFFFE000  }
0xdf: {  	_ =	swait.ge [sflag:s28], $0x2000  }
0xe0: {  	[sflag:s28] =	ssyncset.done $0x0  }
0xe1: {  	[sflag:s28] =	ssyncadd.s32 $0xFFFFE000  }
0xe2: {  	_ =	swait.ge [sflag:s28], $0x2000  }
0xe3: {  	[sflag:s28] =	ssyncset.done $0x0  }
0xe4: {  	[sflag:s28] =	ssyncadd.s32 $0xFFFFE000  }
0xe5: {  	_ =	swait.ge [sflag:s28], $0x2000  }
0xe6: {  	[sflag:s28] =	ssyncset.done $0x0  }
0xe7: {  	[sflag:s28] =	ssyncadd.s32 $0xFFFFE000  }
0xe8: {  	_ =	swait.ge [sflag:s28], $0x2000  }
0xe9: {  	[sflag:s28] =	ssyncset.done $0x0  }
0xea: {  	[sflag:s28] =	ssyncadd.s32 $0xFFFFE000  }
0xeb: {  	_ =	swait.ge [sflag:s28], $0x2000  }
0xec: {  	[sflag:s28] =	ssyncset.done $0x0  }
0xed: {  	[sflag:s28] =	ssyncadd.s32 $0xFFFFE000  }
0xee: {  	_ =	swait.ge [sflag:s28], $0x2000  }
0xef: {  	[sflag:s28] =	ssyncset.done $0x0  }
0xf0: {  	[sflag:s28] =	ssyncadd.s32 $0xFFFFE000  }
0xf1: {  	_ =	swait.ge [sflag:s28], $0x2000  }
0xf2: {  	s1 =	simm.s32 $0x2;
	[sflag:s28] =	ssyncset.done $0x0  }
0xf3: {  	s5 =	simm.s32 $0x0;
	s29 =	rddreg [dreg:$0xa];
	[sflag:s28] =	ssyncadd.s32 $0xFFFFE000  }
0xf4: {  	[hbm4b:s29+s5] =	stream.linear.scatter [tilespmem:s12], [sflag:$0x2], $0x10000, $0x38;
	[tilespmem:$0x10C00] =	vst v63  }
0xf5: {  	_ =	swait.ge [sflag:s1], $0x10000  }
0xf6: {  	s30 =	rddreg [dreg:$0xc]  }
0xf7: {  	s31 =	rddreg [dreg:$0xb];
	s2 =	sadd.s32 $0x1, s30  }
0xf8: {  	p0 =	sne.s32 s2, s31  }
.Ltmp1:
0xf9: {  	_ = 	snop;
	(pc) =	sbr.rel @p0 .LBB2_1-.Ltmp1, $3  }
0xfa: {  	_ =	sdelay $0x1  }
0xfb: {  	[sflag:s1] =	ssyncset.done $0x0  }
0xfc: {  	[sflag:s1] =	ssyncadd.s32 $0xFFFF0000  }
0xfd: {  	_ =	sfence.sel $0x180000  }
0xfe: {  	[bflag:$0x0] =	sbarrier.arrive $0xFFFF  }
0xff: {  	_ =	strace $0x90000047  }
0x100: {  	s0 =	stileid.u32;
	[bflag:$0x2] =	sbarrier.arrive $0xFFFF  }
0x101: {  	p0 =	sne.s32 s0, $0x0;
	s0 =	rddreg [dreg:$0x2]  }
0x102: {  	s0 =	sadd.s32 @!p0 $0x100000, s0  }
0x103: {  	[sflag:s0] =	ssyncadd.tile.s32 @!p0 $0x1;
	_ =	shalt  }
.Lfunc_end2:
_tile_overlayer_lowered:
.L_overlay_start_2:
0x104: {  	(tag) =	ssettag $0x2  }
0x105: {  	s0 =	rddreg [dreg:$0x0];
	s2 =	stileid.u32  }
0x106: {  	s1 =	rddreg [dreg:$0x1];
	p0 =	sne.s32 s2, $0x0  }
0x107: {  	s3 =	rddreg [dreg:$0x2];
	[bflag:$0x3] =	sbarrier.arrive $0xFFFF;
	s2 =	simm.s32 @!p0 $0x1C02  }
0x108: {  	[timem:s3], [sflag:s2] =	dma.local @!p0 [hbm:s0], s1  }
0x109: {  	s0 =	simm.s32 @!p0 $0x2  }
0x10a: {  	_ =	swait.ge @!p0 [sflag:s0], s1  }
0x10b: {  	s1 =	ssub.s32 @!p0 $0x0, s1;
	[sflag:s0] =	ssyncset.done @!p0 $0x0  }
0x10c: {  	[sflag:s0] =	ssyncadd.s32 @!p0 s1  }
0x10d: {  	[bflag:$0x3] =	sbarrier.arrive $0xFFFF  }
0x10e: {  	_ =	shalt  }

</sc_bundles>
